<compile_context>
chip_gen: v7x
topology: tpu7x:2x2x1
jax: 0.10.2.dev20260603
libtpu: 0.0.44.dev20260713+nightly
codegen_flags: <defaults>
</compile_context>

<pallas_src>
import functools
import jax
import jax.numpy as jnp
from jax import lax
from jax.experimental import pallas as pl
from jax.experimental.pallas import tpu as pltpu
from jax.experimental.pallas import tpu_sc as plsc

_B, _I, _D, _C = 2, 16, 128, 13
_HH = 32
_HO = 128
_P = _HH * _HH
_K9 = 9 * _D
_L = 16


def _shifted(Xm, xpos, dy, dx):
    o = dy * _HH + dx
    n = Xm.shape[1]
    zrow = jnp.zeros((abs(o), n), Xm.dtype)
    if o > 0:
        Xs = jnp.concatenate([Xm[o:, :], zrow], axis=0)
    elif o < 0:
        Xs = jnp.concatenate([zrow, Xm[:o, :]], axis=0)
    else:
        Xs = Xm
    zero = jnp.zeros((), Xm.dtype)
    if dx == -1:
        Xs = jnp.where(xpos > 0, Xs, zero)
    elif dx == 1:
        Xs = jnp.where(xpos < _HH - 1, Xs, zero)
    return Xs


def _conv_mm(Xm, xpos, w_ref, b, n_out):
    Xb = Xm.astype(jnp.bfloat16)
    acc = jnp.zeros((_P, n_out), jnp.float32)
    t = 0
    for dy in (-1, 0, 1):
        for dx in (-1, 0, 1):
            G = jnp.dot(Xb, w_ref[t * _D:(t + 1) * _D, :],
                        preferred_element_type=jnp.float32)
            acc = acc + _shifted(G, xpos, dy, dx)
            t += 1
    return acc + b[None, :]


def _stage1_body(act_ref, x_ref, w1_ref, b1_ref, w2_ref, b2_ref, wca2_ref,
                 bca2_ref, fcw_ref, fcb_ref, c32_ref, ss_ref):
    c = pl.program_id(0)
    s = pl.program_id(1)

    @pl.when(act_ref[c * _B + s] > 0)
    def _():
        X = x_ref[0]
        xpos = lax.broadcasted_iota(jnp.int32, (_P, 1), 0) % _HH
        h = jnp.maximum(_conv_mm(X, xpos, w1_ref[0], b1_ref[0, 0], 2 * _D), 0.0)
        sc1 = h[:, :_D]
        ca1 = h[:, _D:]
        sc2 = jnp.maximum(_conv_mm(sc1, xpos, w2_ref[0], b2_ref[0, 0], _D), 0.0)
        pooled = jnp.mean(sc2, axis=0)
        ssw = jnp.dot(pooled, fcw_ref[0], preferred_element_type=jnp.float32) \
            + fcb_ref[0, 0]
        ss_ref[0, 0] = jnp.broadcast_to(ssw[None, :], (8, _D))
        c2w = _conv_mm(ca1, xpos, wca2_ref[0], bca2_ref[0, 0, 0:8], 8)
        c32_ref[0, 0] = c2w[:, 0].reshape(_HH, _HH)


def _to_mm(W):
    C, O, Iin = W.shape[0], W.shape[1], W.shape[2]
    return W.transpose(0, 3, 4, 2, 1).reshape(C, 9 * Iin, O)


def _stage1(act, X, w1cat, b1cat, w2, b2, wca2, bca2, fcw, fcb):
    f32 = jnp.float32
    return pl.pallas_call(
        _stage1_body,
        grid_spec=pltpu.PrefetchScalarGridSpec(
            num_scalar_prefetch=1,
            grid=(_C, _B),
            in_specs=[
                pl.BlockSpec((1, _P, _D), lambda c, s, a: (s, 0, 0)),
                pl.BlockSpec((1, _K9, 2 * _D), lambda c, s, a: (c, 0, 0)),
                pl.BlockSpec((1, 8, 2 * _D), lambda c, s, a: (c, 0, 0)),
                pl.BlockSpec((1, _K9, _D), lambda c, s, a: (c, 0, 0)),
                pl.BlockSpec((1, 8, _D), lambda c, s, a: (c, 0, 0)),
                pl.BlockSpec((1, _K9, 8), lambda c, s, a: (c, 0, 0)),
                pl.BlockSpec((1, 8, _D), lambda c, s, a: (c, 0, 0)),
                pl.BlockSpec((1, _D, _D), lambda c, s, a: (c, 0, 0)),
                pl.BlockSpec((1, 8, _D), lambda c, s, a: (c, 0, 0)),
            ],
            out_specs=[
                pl.BlockSpec((1, 1, _HH, _HH), lambda c, s, a: (c, s, 0, 0)),
                pl.BlockSpec((1, 1, 8, _D), lambda c, s, a: (c, s, 0, 0)),
            ],
        ),
        out_shape=[
            jax.ShapeDtypeStruct((_C, _B, _HH, _HH), f32),
            jax.ShapeDtypeStruct((_C, _B, 8, _D), f32),
        ],
    )(act, X, w1cat, b1cat, w2, b2, wca2, bca2, fcw, fcb)


def _sc_route(c32_2, pair_mat, sp, tp, m_mat):
    mesh = plsc.VectorSubcoreMesh(core_axis_name="c", subcore_axis_name="s")
    info = plsc.get_sparse_core_info()
    nc = info.num_cores

    @functools.partial(
        pl.kernel, mesh=mesh,
        out_type=[
            jax.ShapeDtypeStruct((_B * _I, _P), jnp.float32),
            jax.ShapeDtypeStruct((_B * _I, _D), jnp.float32),
        ],
        scratch_types=[
            pltpu.VMEM((_L,), jnp.int32),
            pltpu.VMEM((1, _P), jnp.float32),
            pltpu.VMEM((1, _D), jnp.float32),
            pltpu.VMEM((1, _D), jnp.float32),
            pltpu.VMEM((_L,), jnp.float32),
            pltpu.VMEM((_D,), jnp.float32),
            pltpu.SemaphoreType.DMA,
        ],
    )
    def k(c32_hbm, pair_hbm, sp_hbm, tp_hbm, m_hbm, c32r_hbm, str_hbm,
          idx_v, row_v, s_v, t_v, m_v, st_v, sem):
        wid = lax.axis_index("s") * nc + lax.axis_index("c")
        pltpu.sync_copy(pair_hbm.at[wid], idx_v)
        pltpu.sync_copy(m_hbm.at[wid], m_v)
        idx1 = idx_v.at[pl.ds(0, 1)]
        pltpu.async_copy(c32_hbm.at[idx1], row_v, sem).wait()
        pltpu.async_copy(sp_hbm.at[idx1], s_v, sem).wait()
        pltpu.async_copy(tp_hbm.at[idx1], t_v, sem).wait()
        mv = m_v[...] > 0.0
        zer = jnp.zeros((_L,), jnp.float32)
        st_v[pl.ds(0, _L)] = jnp.where(mv, s_v[0, pl.ds(0, _L)], zer)
        st_v[pl.ds(_L, _L)] = jnp.where(mv, t_v[0, pl.ds(0, _L)], zer)

        def body(kk, carry):
            sl = pl.ds(kk * _L, _L)
            row_v[0, sl] = jnp.where(mv, row_v[0, sl], zer)
            return carry

        lax.fori_loop(0, _P // _L, body, 0, unroll=8)
        pltpu.sync_copy(row_v.at[0], c32r_hbm.at[wid])
        pltpu.sync_copy(st_v, str_hbm.at[wid])

    return k(c32_2, pair_mat, sp, tp, m_mat)


def _stage3_body(c32r_ref, str_ref, a_ref, at_ref, canon_ref, depth_ref):
    j = pl.program_id(0)
    c32m = c32r_ref[0]
    up = jnp.dot(jnp.dot(a_ref[...], c32m, preferred_element_type=jnp.float32),
                 at_ref[...], preferred_element_type=jnp.float32)
    s = str_ref[j, 0]
    t = str_ref[j, _L]
    canon_ref[0] = up
    depth_ref[0] = jnp.maximum(up * s + t, 0.001)


def _stage3(c32r3, strow, A, At):
    f32 = jnp.float32
    return pl.pallas_call(
        _stage3_body,
        grid=(_B * _I,),
        in_specs=[
            pl.BlockSpec((1, _HH, _HH), lambda j: (j, 0, 0)),
            pl.BlockSpec((_B * _I, _D), lambda j: (0, 0)),
            pl.BlockSpec((_HO, _HH), lambda j: (0, 0)),
            pl.BlockSpec((_HH, _HO), lambda j: (0, 0)),
        ],
        out_specs=[
            pl.BlockSpec((1, _HO, _HO), lambda j: (j, 0, 0)),
            pl.BlockSpec((1, _HO, _HO), lambda j: (j, 0, 0)),
        ],
        out_shape=[
            jax.ShapeDtypeStruct((_B * _I, _HO, _HO), f32),
            jax.ShapeDtypeStruct((_B * _I, _HO, _HO), f32),
        ],
    )(c32r3, strow, A, At)


def kernel(depth, context, input_feature_map, bin_num, min_depth, max_depth,
           masks, instances, boxes, labels,
           scale_W1, scale_b1, scale_W2, scale_b2, scale_fc_w, scale_fc_b,
           canon_W1, canon_b1, canon_W2, canon_b2):
    f32 = jnp.float32
    X = input_feature_map.transpose(0, 2, 3, 1).reshape(_B, _P, _D)

    bf16 = jnp.bfloat16
    w1cat = jnp.concatenate(
        [_to_mm(scale_W1), _to_mm(canon_W1)], axis=2).astype(bf16)
    b1cat = jnp.broadcast_to(
        jnp.concatenate([scale_b1, canon_b1], axis=1)[:, None, :], (_C, 8, 2 * _D))
    w2 = _to_mm(scale_W2).astype(bf16)
    b2 = jnp.broadcast_to(scale_b2[:, None, :], (_C, 8, _D))
    wca2 = jnp.pad(_to_mm(canon_W2),
                   ((0, 0), (0, 0), (0, 7))).astype(bf16)
    bca2 = jnp.broadcast_to(canon_b2[:, :, None], (_C, 8, _D))
    fcw = jnp.pad(scale_fc_w, ((0, 0), (0, 0), (0, _D - 2)))
    fcb = jnp.broadcast_to(
        jnp.pad(scale_fc_b, ((0, 0), (0, _D - 2)))[:, None, :], (_C, 8, _D))
    A = jax.image.resize(jnp.eye(_HH, dtype=f32), (_HO, _HH), 'bilinear')
    At = jnp.asarray(A.T)

    lab_bi = labels.astype(jnp.int32)
    act = (lab_bi[None, :, :]
           == (jnp.arange(_C, dtype=jnp.int32) + 1)[:, None, None])
    act = jnp.any(act, axis=2).reshape(_C * _B).astype(jnp.int32)

    c32_all, ss_all = _stage1(act, X, w1cat, b1cat, w2, b2, wca2, bca2,
                              fcw, fcb)

    labf = labels.reshape(_B * _I).astype(jnp.int32)
    b_of = (jnp.arange(_B * _I, dtype=jnp.int32) // _I)
    pair = jnp.clip(labf - 1, 0, _C - 1) * _B + b_of
    pair_mat = jnp.broadcast_to(pair[:, None], (_B * _I, _L))
    m_mat = jnp.broadcast_to((labf > 0).astype(f32)[:, None], (_B * _I, _L))

    c32_2 = c32_all.reshape(_C * _B, _P)
    ss2 = ss_all.reshape(_C * _B, 8 * _D)
    sp = jnp.broadcast_to(ss2[:, 0:1], (_C * _B, _D))
    tp = jnp.broadcast_to(ss2[:, 1:2], (_C * _B, _D))

    c32r, strow = _sc_route(c32_2, pair_mat, sp, tp, m_mat)
    canon, dep = _stage3(c32r.reshape(_B * _I, _HH, _HH), strow, A, At)

    lab2 = labels.astype(jnp.int32)
    li = jnp.clip(lab2 - 1, 0, _C - 1)
    s_bt = ss_all[:, :, 0, 0].transpose(1, 0)
    t_bt = ss_all[:, :, 0, 1].transpose(1, 0)
    s_out = jnp.where(lab2 > 0, jnp.take_along_axis(s_bt, li, axis=1), 0.0)
    t_out = jnp.where(lab2 > 0, jnp.take_along_axis(t_bt, li, axis=1), 0.0)

    return (dep.reshape(_B, _I, _HO, _HO),
            canon.reshape(_B, _I, _HO, _HO),
            s_out, t_out)

# --- scband reference (transcript-rebuilt; emitter-appended) ---
"""Pipeline reference for scband-regression-instances-no-shared-canonical-module-19207093748140 (READ-ONLY COPY).

The authoritative reference and input builder live on the scoring server;
editing this copy changes nothing except your own understanding.
"""

import jax, jax.numpy as jnp
import numpy as np


def _conv2d(x, W, b):
    y = jax.lax.conv_general_dilated(x, W, window_strides=(1, 1), padding='SAME',
                                     dimension_numbers=('NCHW', 'OIHW', 'NCHW'))
    return y + b[None, :, None, None]


def setup_inputs(seed: int = 0):
    key = jax.random.key(seed)
    ks = [jax.random.fold_in(key, i) for i in range(32)]
    B, I, H, W = 2, 16, 128, 128
    HH, WW = 32, 32
    D = 128
    C = 13  # num_semantic_classes - 1 expert heads
    inp = {}
    inp['depth'] = jnp.zeros((B, 1, H, W), jnp.float32)
    inp['context'] = jax.random.normal(ks[0], (B, 192, HH, WW), dtype=jnp.float32)
    inp['input_feature_map'] = jax.random.normal(ks[1], (B, D, HH, WW), dtype=jnp.float32)
    inp['bin_num'] = 16
    inp['min_depth'] = 0
    inp['max_depth'] = 80
    inp['masks'] = jnp.zeros((B, I, H, W), jnp.float32)
    inp['instances'] = jax.random.uniform(ks[2], (B, I, H, W), dtype=jnp.float32)
    inp['boxes'] = jax.random.uniform(ks[3], (B, I, 4), dtype=jnp.float32)
    inp['labels'] = jax.random.randint(ks[4], (B, I), 0, 14)
    # per-class expert parameters (stacked over the C=13 experts)
    inp['scale_W1'] = jax.random.normal(ks[5], (C, D, D, 3, 3), dtype=jnp.float32) * 0.02
    inp['scale_b1'] = jnp.zeros((C, D), jnp.float32)
    inp['scale_W2'] = jax.random.normal(ks[6], (C, D, D, 3, 3), dtype=jnp.float32) * 0.02
    inp['scale_b2'] = jnp.zeros((C, D), jnp.float32)
    inp['scale_fc_w'] = jax.random.normal(ks[7], (C, D, 2), dtype=jnp.float32) * 0.02
    inp['scale_fc_b'] = jnp.zeros((C, 2), jnp.float32)
    inp['canon_W1'] = jax.random.normal(ks[8], (C, D, D, 3, 3), dtype=jnp.float32) * 0.02
    inp['canon_b1'] = jnp.zeros((C, D), jnp.float32)
    inp['canon_W2'] = jax.random.normal(ks[9], (C, 1, D, 3, 3), dtype=jnp.float32) * 0.02
    inp['canon_b2'] = jnp.zeros((C, 1), jnp.float32)
    return inp


def reference(depth, context, input_feature_map, bin_num, min_depth, max_depth,
              masks, instances, boxes, labels,
              scale_W1, scale_b1, scale_W2, scale_b2, scale_fc_w, scale_fc_b,
              canon_W1, canon_b1, canon_W2, canon_b2):
    b, _, h, w = depth.shape
    batch_size, i_dim = instances.shape[0], instances.shape[1]
    labels_flat = labels.reshape(batch_size * i_dim)
    canonical_full = jnp.zeros((batch_size * i_dim, 1, h, w), jnp.float32)
    instances_scale = jnp.zeros((batch_size * i_dim, 1), jnp.float32)
    instances_shift = jnp.zeros((batch_size * i_dim, 1), jnp.float32)
    num_experts = scale_W1.shape[0]
    for i in range(num_experts):
        mask = labels_flat == (i + 1)
        # ROI-select is a pure batch-index gather; compute per batch sample once
        feats = input_feature_map  # [B, D, hh, ww]
        # scale-and-shift expert head
        h1 = jax.nn.relu(_conv2d(feats, scale_W1[i], scale_b1[i]))
        h2 = jax.nn.relu(_conv2d(h1, scale_W2[i], scale_b2[i]))
        pooled = h2.mean(axis=(2, 3))
        ss = pooled @ scale_fc_w[i] + scale_fc_b[i]
        scale = ss[:, 0:1]
        shift = ss[:, 1:2]
        # canonical-depth expert head
        c1 = jax.nn.relu(_conv2d(feats, canon_W1[i], canon_b1[i]))
        c2 = _conv2d(c1, canon_W2[i], canon_b2[i])  # [B, 1, hh, ww]
        canon = jax.image.resize(c2, (c2.shape[0], 1, h, w), 'bilinear')
        canon_inst = jnp.repeat(canon, i_dim, axis=0)      # [B*I, 1, h, w]
        scale_inst = jnp.repeat(scale, i_dim, axis=0)      # [B*I, 1]
        shift_inst = jnp.repeat(shift, i_dim, axis=0)      # [B*I, 1]
        canonical_full = jnp.where(mask[:, None, None, None], canon_inst, canonical_full)
        instances_scale = jnp.where(mask[:, None], scale_inst, instances_scale)
        instances_shift = jnp.where(mask[:, None], shift_inst, instances_shift)
    instances_canonical = canonical_full.reshape(batch_size, i_dim, h, w)
    s = instances_scale.reshape(batch_size, i_dim)
    t = instances_shift.reshape(batch_size, i_dim)
    # loss_type == 0: relu(.) then clamp(min=0.001)  ==  maximum(x, 0.001)
    depth_instances_r = jnp.maximum(instances_canonical * s[:, :, None, None] + t[:, :, None, None], 0.001)
    return (depth_instances_r, instances_canonical, s, t)

if __name__ == "__main__":
    import jax
    _d = setup_inputs()
    print(jax.jit(kernel)(*tuple(_d.values())))

</pallas_src>

<mosaic_0001>
#map = affine_map<(d0, d1) -> (0, 0)>
module attributes {stable_mosaic.version = 14 : i64} {
  func.func @k(%arg0: i32, %arg1: i32, %arg2: memref<26x1024xf32, #tpu.memory_space<hbm>>, %arg3: memref<32x16xi32, #tpu.memory_space<hbm>>, %arg4: memref<26x128xf32, #tpu.memory_space<hbm>>, %arg5: memref<26x128xf32, #tpu.memory_space<hbm>>, %arg6: memref<32x16xf32, #tpu.memory_space<hbm>>, %arg7: memref<32x1024xf32, #tpu.memory_space<hbm>>, %arg8: memref<32x128xf32, #tpu.memory_space<hbm>>, %arg9: memref<16xi32, #tpu.memory_space<vmem>>, %arg10: memref<1x1024xf32, #tpu.memory_space<vmem>>, %arg11: memref<1x128xf32, #tpu.memory_space<vmem>>, %arg12: memref<1x128xf32, #tpu.memory_space<vmem>>, %arg13: memref<16xf32, #tpu.memory_space<vmem>>, %arg14: memref<128xf32, #tpu.memory_space<vmem>>, %arg15: memref<!tpu.dma_semaphore, #tpu.memory_space<semaphore_mem>>) attributes {dimension_semantics = [#tpu.dimension_semantics<core_parallel>, #tpu.dimension_semantics<subcore_parallel>], iteration_bounds = array<i64: 2, 16>, scalar_prefetch = 0 : i64, scratch_operands = 7 : i64, tpu.core_type = #tpu.core_type<sc_vector_subcore>, window_params = [{transform_indices = #map}, {transform_indices = #map}, {transform_indices = #map}, {transform_indices = #map}, {transform_indices = #map}, {transform_indices = #map}, {transform_indices = #map}]} {
    %mul3A = arith.constant 2 : i32
    %mul3A_0 = arith.muli %arg1, %mul3A : i32
    %add3A = arith.addi %mul3A_0, %arg0 : i32
    "tpu.region"() ({
      %run_scoped3A_57 = tpu.sem_alloc : memref<!tpu.dma_semaphore, #tpu.memory_space<semaphore_mem>>
      %dma_start3A_58 = arith.constant 0 : i32
      %dma_start3A_59 = tpu.memref_slice %arg3[%add3A, %dma_start3A_58] : memref<32x16xi32, #tpu.memory_space<hbm>> -> memref<1x16xi32, #tpu.memory_space<hbm>>
      %dma_start3A_60 = tpu.memref_squeeze %dma_start3A_59 : memref<1x16xi32, #tpu.memory_space<hbm>> -> memref<16xi32, #tpu.memory_space<hbm>>
      %dma_start3A_61 = arith.constant 0 : i32
      %dma_start3A_62 = tpu.memref_slice %arg3[%add3A, %dma_start3A_61] : memref<32x16xi32, #tpu.memory_space<hbm>> -> memref<1x16xi32, #tpu.memory_space<hbm>>
      %dma_start3A_63 = tpu.memref_squeeze %dma_start3A_62 : memref<1x16xi32, #tpu.memory_space<hbm>> -> memref<16xi32, #tpu.memory_space<hbm>>
      tpu.enqueue_dma source(%dma_start3A_63 : memref<16xi32, #tpu.memory_space<hbm>>) target(%arg9 : memref<16xi32, #tpu.memory_space<vmem>>) target_semaphore(%run_scoped3A_57 : memref<!tpu.dma_semaphore, #tpu.memory_space<semaphore_mem>>)
      %dma_wait3A_64 = arith.constant 0 : i32
      %dma_wait3A_65 = tpu.memref_slice %arg3[%add3A, %dma_wait3A_64] : memref<32x16xi32, #tpu.memory_space<hbm>> -> memref<1x16xi32, #tpu.memory_space<hbm>>
      %dma_wait3A_66 = tpu.memref_squeeze %dma_wait3A_65 : memref<1x16xi32, #tpu.memory_space<hbm>> -> memref<16xi32, #tpu.memory_space<hbm>>
      %dma_wait3A_67 = arith.constant 0 : i32
      %dma_wait3A_68 = tpu.memref_slice %arg3[%add3A, %dma_wait3A_67] : memref<32x16xi32, #tpu.memory_space<hbm>> -> memref<1x16xi32, #tpu.memory_space<hbm>>
      %dma_wait3A_69 = tpu.memref_squeeze %dma_wait3A_68 : memref<1x16xi32, #tpu.memory_space<hbm>> -> memref<16xi32, #tpu.memory_space<hbm>>
      tpu.wait_dma2 semaphore(%run_scoped3A_57 : memref<!tpu.dma_semaphore, #tpu.memory_space<semaphore_mem>>) src(%dma_wait3A_69 : memref<16xi32, #tpu.memory_space<hbm>>) dst(%arg9 : memref<16xi32, #tpu.memory_space<vmem>>)
      tpu.yield
    }) : () -> ()
    "tpu.region"() ({
      %run_scoped3A_57 = tpu.sem_alloc : memref<!tpu.dma_semaphore, #tpu.memory_space<semaphore_mem>>
      %dma_start3A_58 = arith.constant 0 : i32
      %dma_start3A_59 = tpu.memref_slice %arg6[%add3A, %dma_start3A_58] : memref<32x16xf32, #tpu.memory_space<hbm>> -> memref<1x16xf32, #tpu.memory_space<hbm>>
      %dma_start3A_60 = tpu.memref_squeeze %dma_start3A_59 : memref<1x16xf32, #tpu.memory_space<hbm>> -> memref<16xf32, #tpu.memory_space<hbm>>
      %dma_start3A_61 = arith.constant 0 : i32
      %dma_start3A_62 = tpu.memref_slice %arg6[%add3A, %dma_start3A_61] : memref<32x16xf32, #tpu.memory_space<hbm>> -> memref<1x16xf32, #tpu.memory_space<hbm>>
      %dma_start3A_63 = tpu.memref_squeeze %dma_start3A_62 : memref<1x16xf32, #tpu.memory_space<hbm>> -> memref<16xf32, #tpu.memory_space<hbm>>
      tpu.enqueue_dma source(%dma_start3A_63 : memref<16xf32, #tpu.memory_space<hbm>>) target(%arg13 : memref<16xf32, #tpu.memory_space<vmem>>) target_semaphore(%run_scoped3A_57 : memref<!tpu.dma_semaphore, #tpu.memory_space<semaphore_mem>>)
      %dma_wait3A_64 = arith.constant 0 : i32
      %dma_wait3A_65 = tpu.memref_slice %arg6[%add3A, %dma_wait3A_64] : memref<32x16xf32, #tpu.memory_space<hbm>> -> memref<1x16xf32, #tpu.memory_space<hbm>>
      %dma_wait3A_66 = tpu.memref_squeeze %dma_wait3A_65 : memref<1x16xf32, #tpu.memory_space<hbm>> -> memref<16xf32, #tpu.memory_space<hbm>>
      %dma_wait3A_67 = arith.constant 0 : i32
      %dma_wait3A_68 = tpu.memref_slice %arg6[%add3A, %dma_wait3A_67] : memref<32x16xf32, #tpu.memory_space<hbm>> -> memref<1x16xf32, #tpu.memory_space<hbm>>
      %dma_wait3A_69 = tpu.memref_squeeze %dma_wait3A_68 : memref<1x16xf32, #tpu.memory_space<hbm>> -> memref<16xf32, #tpu.memory_space<hbm>>
      tpu.wait_dma2 semaphore(%run_scoped3A_57 : memref<!tpu.dma_semaphore, #tpu.memory_space<semaphore_mem>>) src(%dma_wait3A_69 : memref<16xf32, #tpu.memory_space<hbm>>) dst(%arg13 : memref<16xf32, #tpu.memory_space<vmem>>)
      tpu.yield
    }) : () -> ()
    %dma_start3A = arith.constant 0 : i32
    %dma_start3A_1 = tpu.memref_slice %arg9[%dma_start3A] : memref<16xi32, #tpu.memory_space<vmem>> -> memref<1xi32, #tpu.memory_space<vmem>>
    %dma_start3A_2 = arith.constant 0 : i32
    %dma_start3A_3 = arith.constant 0 : i32
    %dma_start3A_4 = tpu.memref_slice %arg2[%dma_start3A_2, %dma_start3A_3] : memref<26x1024xf32, #tpu.memory_space<hbm>> -> memref<26x1024xf32, #tpu.memory_space<hbm>>
    tpu.enqueue_indirect_dma source(%dma_start3A_4 : memref<26x1024xf32, #tpu.memory_space<hbm>>) target(%arg10 : memref<1x1024xf32, #tpu.memory_space<vmem>>) offsets(%dma_start3A_1 : memref<1xi32, #tpu.memory_space<vmem>>) semaphore(%arg15 : memref<!tpu.dma_semaphore, #tpu.memory_space<semaphore_mem>>)
    %dma_wait3A = arith.constant 0 : i32
    %dma_wait3A_5 = tpu.memref_slice %arg9[%dma_wait3A] : memref<16xi32, #tpu.memory_space<vmem>> -> memref<1xi32, #tpu.memory_space<vmem>>
    %dma_wait3A_6 = arith.constant 0 : i32
    %dma_wait3A_7 = arith.constant 0 : i32
    %dma_wait3A_8 = tpu.memref_slice %arg2[%dma_wait3A_6, %dma_wait3A_7] : memref<26x1024xf32, #tpu.memory_space<hbm>> -> memref<26x1024xf32, #tpu.memory_space<hbm>>
    tpu.wait_indirect_dma semaphore(%arg15 : memref<!tpu.dma_semaphore, #tpu.memory_space<semaphore_mem>>) src(%dma_wait3A_8 : memref<26x1024xf32, #tpu.memory_space<hbm>>) dst(%arg10 : memref<1x1024xf32, #tpu.memory_space<vmem>>)
    %dma_start3A_9 = arith.constant 0 : i32
    %dma_start3A_10 = tpu.memref_slice %arg9[%dma_start3A_9] : memref<16xi32, #tpu.memory_space<vmem>> -> memref<1xi32, #tpu.memory_space<vmem>>
    %dma_start3A_11 = arith.constant 0 : i32
    %dma_start3A_12 = arith.constant 0 : i32
    %dma_start3A_13 = tpu.memref_slice %arg4[%dma_start3A_11, %dma_start3A_12] : memref<26x128xf32, #tpu.memory_space<hbm>> -> memref<26x128xf32, #tpu.memory_space<hbm>>
    tpu.enqueue_indirect_dma source(%dma_start3A_13 : memref<26x128xf32, #tpu.memory_space<hbm>>) target(%arg11 : memref<1x128xf32, #tpu.memory_space<vmem>>) offsets(%dma_start3A_10 : memref<1xi32, #tpu.memory_space<vmem>>) semaphore(%arg15 : memref<!tpu.dma_semaphore, #tpu.memory_space<semaphore_mem>>)
    %dma_wait3A_14 = arith.constant 0 : i32
    %dma_wait3A_15 = tpu.memref_slice %arg9[%dma_wait3A_14] : memref<16xi32, #tpu.memory_space<vmem>> -> memref<1xi32, #tpu.memory_space<vmem>>
    %dma_wait3A_16 = arith.constant 0 : i32
    %dma_wait3A_17 = arith.constant 0 : i32
    %dma_wait3A_18 = tpu.memref_slice %arg4[%dma_wait3A_16, %dma_wait3A_17] : memref<26x128xf32, #tpu.memory_space<hbm>> -> memref<26x128xf32, #tpu.memory_space<hbm>>
    tpu.wait_indirect_dma semaphore(%arg15 : memref<!tpu.dma_semaphore, #tpu.memory_space<semaphore_mem>>) src(%dma_wait3A_18 : memref<26x128xf32, #tpu.memory_space<hbm>>) dst(%arg11 : memref<1x128xf32, #tpu.memory_space<vmem>>)
    %dma_start3A_19 = arith.constant 0 : i32
    %dma_start3A_20 = tpu.memref_slice %arg9[%dma_start3A_19] : memref<16xi32, #tpu.memory_space<vmem>> -> memref<1xi32, #tpu.memory_space<vmem>>
    %dma_start3A_21 = arith.constant 0 : i32
    %dma_start3A_22 = arith.constant 0 : i32
    %dma_start3A_23 = tpu.memref_slice %arg5[%dma_start3A_21, %dma_start3A_22] : memref<26x128xf32, #tpu.memory_space<hbm>> -> memref<26x128xf32, #tpu.memory_space<hbm>>
    tpu.enqueue_indirect_dma source(%dma_start3A_23 : memref<26x128xf32, #tpu.memory_space<hbm>>) target(%arg12 : memref<1x128xf32, #tpu.memory_space<vmem>>) offsets(%dma_start3A_20 : memref<1xi32, #tpu.memory_space<vmem>>) semaphore(%arg15 : memref<!tpu.dma_semaphore, #tpu.memory_space<semaphore_mem>>)
    %dma_wait3A_24 = arith.constant 0 : i32
    %dma_wait3A_25 = tpu.memref_slice %arg9[%dma_wait3A_24] : memref<16xi32, #tpu.memory_space<vmem>> -> memref<1xi32, #tpu.memory_space<vmem>>
    %dma_wait3A_26 = arith.constant 0 : i32
    %dma_wait3A_27 = arith.constant 0 : i32
    %dma_wait3A_28 = tpu.memref_slice %arg5[%dma_wait3A_26, %dma_wait3A_27] : memref<26x128xf32, #tpu.memory_space<hbm>> -> memref<26x128xf32, #tpu.memory_space<hbm>>
    tpu.wait_indirect_dma semaphore(%arg15 : memref<!tpu.dma_semaphore, #tpu.memory_space<semaphore_mem>>) src(%dma_wait3A_28 : memref<26x128xf32, #tpu.memory_space<hbm>>) dst(%arg12 : memref<1x128xf32, #tpu.memory_space<vmem>>)
    %get3A = arith.constant 0 : index
    %get3A_29 = tpu.vector_load %arg13[%get3A] {strides = array<i32>} : memref<16xf32, #tpu.memory_space<vmem>>, vector<16xf32>,
    %get3A_30 = vector.shape_cast %get3A_29 : vector<16xf32> to vector<16xf32>
    %gt3A = arith.constant 0.000000e+00 : f32
    %gt3A_31 = vector.broadcast %gt3A : f32 to vector<16xf32>
    %gt3A_32 = arith.cmpf ogt, %get3A_30, %gt3A_31 : vector<16xf32>
    %broadcast_in_dim3A = arith.constant 0.000000e+00 : f32
    %broadcast_in_dim3A_33 = vector.broadcast %broadcast_in_dim3A : f32 to vector<16xf32>
    %get3A_34 = arith.constant 0 : i32
    %get3A_35 = arith.index_cast %get3A_34 : i32 to index
    %get3A_36 = arith.constant 0 : index
    %get3A_37 = tpu.vector_load %arg11[%get3A_35, %get3A_36] {strides = array<i32>} : memref<1x128xf32, #tpu.memory_space<vmem>>, vector<1x16xf32>,
    %get3A_38 = vector.shape_cast %get3A_37 : vector<1x16xf32> to vector<16xf32>
    %select_n3A = arith.select %gt3A_32, %get3A_38, %broadcast_in_dim3A_33 : vector<16xi1>, vector<16xf32>
    %swap3A = arith.constant 0 : index
    %swap3A_39 = tpu.vector_load %arg14[%swap3A] {strides = array<i32>} : memref<128xf32, #tpu.memory_space<vmem>>, vector<16xf32>,
    %swap3A_40 = vector.shape_cast %swap3A_39 : vector<16xf32> to vector<16xf32>
    %swap3A_41 = vector.shape_cast %select_n3A : vector<16xf32> to vector<16xf32>
    tpu.vector_store %arg14[%swap3A], %swap3A_41 {strides = array<i32>} : memref<128xf32, #tpu.memory_space<vmem>>, vector<16xf32>,
    %get3A_42 = arith.constant 0 : i32
    %get3A_43 = arith.index_cast %get3A_42 : i32 to index
    %get3A_44 = arith.constant 0 : index
    %get3A_45 = tpu.vector_load %arg12[%get3A_43, %get3A_44] {strides = array<i32>} : memref<1x128xf32, #tpu.memory_space<vmem>>, vector<1x16xf32>,
    %get3A_46 = vector.shape_cast %get3A_45 : vector<1x16xf32> to vector<16xf32>
    %select_n3A_47 = arith.select %gt3A_32, %get3A_46, %broadcast_in_dim3A_33 : vector<16xi1>, vector<16xf32>
    %swap3A_48 = arith.constant 16 : index
    %swap3A_49 = tpu.vector_load %arg14[%swap3A_48] {strides = array<i32>} : memref<128xf32, #tpu.memory_space<vmem>>, vector<16xf32>,
    %swap3A_50 = vector.shape_cast %swap3A_49 : vector<16xf32> to vector<16xf32>
    %swap3A_51 = vector.shape_cast %select_n3A_47 : vector<16xf32> to vector<16xf32>
    tpu.vector_store %arg14[%swap3A_48], %swap3A_51 {strides = array<i32>} : memref<128xf32, #tpu.memory_space<vmem>>, vector<16xf32>,
    %scan3A = arith.constant 0 : i32
    %scan3A_52 = arith.constant 0 : i32
    %scan3A_53 = arith.constant 64 : i32
    %scan3A_54 = arith.addi %scan3A_52, %scan3A_53 : i32
    %scan3A_55 = arith.constant 8 : i32
    scf.for %scan3A_57 = %scan3A_52 to %scan3A_54 step %scan3A_55  : i32 {
      %mul3A_58 = arith.constant 16 : i32
      %mul3A_59 = arith.muli %scan3A_57, %mul3A_58 : i32
      %get3A_60 = arith.constant 0 : i32
      %get3A_61 = arith.index_cast %get3A_60 : i32 to index
      %get3A_62 = arith.index_cast %mul3A_59 : i32 to index
      %get3A_63 = tpu.vector_load %arg10[%get3A_61, %get3A_62] {strides = array<i32>} : memref<1x1024xf32, #tpu.memory_space<vmem>>, vector<1x16xf32>,
      %get3A_64 = vector.shape_cast %get3A_63 : vector<1x16xf32> to vector<16xf32>
      %select_n3A_65 = arith.select %gt3A_32, %get3A_64, %broadcast_in_dim3A_33 : vector<16xi1>, vector<16xf32>
      %swap3A_66 = arith.constant 0 : i32
      %swap3A_67 = arith.index_cast %swap3A_66 : i32 to index
      %swap3A_68 = arith.index_cast %mul3A_59 : i32 to index
      %swap3A_69 = tpu.vector_load %arg10[%swap3A_67, %swap3A_68] {strides = array<i32>} : memref<1x1024xf32, #tpu.memory_space<vmem>>, vector<1x16xf32>,
      %swap3A_70 = vector.shape_cast %swap3A_69 : vector<1x16xf32> to vector<16xf32>
      %swap3A_71 = vector.shape_cast %select_n3A_65 : vector<16xf32> to vector<1x16xf32>
      tpu.vector_store %arg10[%swap3A_67, %swap3A_68], %swap3A_71 {strides = array<i32>} : memref<1x1024xf32, #tpu.memory_space<vmem>>, vector<1x16xf32>,
      %scan3A_72 = arith.constant 1 : i32
      %scan3A_73 = arith.addi %scan3A_57, %scan3A_72 : i32
      %mul3A_74 = arith.constant 16 : i32
      %mul3A_75 = arith.muli %scan3A_73, %mul3A_74 : i32
      %get3A_76 = arith.constant 0 : i32
      %get3A_77 = arith.index_cast %get3A_76 : i32 to index
      %get3A_78 = arith.index_cast %mul3A_75 : i32 to index
      %get3A_79 = tpu.vector_load %arg10[%get3A_77, %get3A_78] {strides = array<i32>} : memref<1x1024xf32, #tpu.memory_space<vmem>>, vector<1x16xf32>,
      %get3A_80 = vector.shape_cast %get3A_79 : vector<1x16xf32> to vector<16xf32>
      %select_n3A_81 = arith.select %gt3A_32, %get3A_80, %broadcast_in_dim3A_33 : vector<16xi1>, vector<16xf32>
      %swap3A_82 = arith.constant 0 : i32
      %swap3A_83 = arith.index_cast %swap3A_82 : i32 to index
      %swap3A_84 = arith.index_cast %mul3A_75 : i32 to index
      %swap3A_85 = tpu.vector_load %arg10[%swap3A_83, %swap3A_84] {strides = array<i32>} : memref<1x1024xf32, #tpu.memory_space<vmem>>, vector<1x16xf32>,
      %swap3A_86 = vector.shape_cast %swap3A_85 : vector<1x16xf32> to vector<16xf32>
      %swap3A_87 = vector.shape_cast %select_n3A_81 : vector<16xf32> to vector<1x16xf32>
      tpu.vector_store %arg10[%swap3A_83, %swap3A_84], %swap3A_87 {strides = array<i32>} : memref<1x1024xf32, #tpu.memory_space<vmem>>, vector<1x16xf32>,
      %scan3A_88 = arith.constant 2 : i32
      %scan3A_89 = arith.addi %scan3A_57, %scan3A_88 : i32
      %mul3A_90 = arith.constant 16 : i32
      %mul3A_91 = arith.muli %scan3A_89, %mul3A_90 : i32
      %get3A_92 = arith.constant 0 : i32
      %get3A_93 = arith.index_cast %get3A_92 : i32 to index
      %get3A_94 = arith.index_cast %mul3A_91 : i32 to index
      %get3A_95 = tpu.vector_load %arg10[%get3A_93, %get3A_94] {strides = array<i32>} : memref<1x1024xf32, #tpu.memory_space<vmem>>, vector<1x16xf32>,
      %get3A_96 = vector.shape_cast %get3A_95 : vector<1x16xf32> to vector<16xf32>
      %select_n3A_97 = arith.select %gt3A_32, %get3A_96, %broadcast_in_dim3A_33 : vector<16xi1>, vector<16xf32>
      %swap3A_98 = arith.constant 0 : i32
      %swap3A_99 = arith.index_cast %swap3A_98 : i32 to index
      %swap3A_100 = arith.index_cast %mul3A_91 : i32 to index
      %swap3A_101 = tpu.vector_load %arg10[%swap3A_99, %swap3A_100] {strides = array<i32>} : memref<1x1024xf32, #tpu.memory_space<vmem>>, vector<1x16xf32>,
      %swap3A_102 = vector.shape_cast %swap3A_101 : vector<1x16xf32> to vector<16xf32>
      %swap3A_103 = vector.shape_cast %select_n3A_97 : vector<16xf32> to vector<1x16xf32>
      tpu.vector_store %arg10[%swap3A_99, %swap3A_100], %swap3A_103 {strides = array<i32>} : memref<1x1024xf32, #tpu.memory_space<vmem>>, vector<1x16xf32>,
      %scan3A_104 = arith.constant 3 : i32
      %scan3A_105 = arith.addi %scan3A_57, %scan3A_104 : i32
      %mul3A_106 = arith.constant 16 : i32
      %mul3A_107 = arith.muli %scan3A_105, %mul3A_106 : i32
      %get3A_108 = arith.constant 0 : i32
      %get3A_109 = arith.index_cast %get3A_108 : i32 to index
      %get3A_110 = arith.index_cast %mul3A_107 : i32 to index
      %get3A_111 = tpu.vector_load %arg10[%get3A_109, %get3A_110] {strides = array<i32>} : memref<1x1024xf32, #tpu.memory_space<vmem>>, vector<1x16xf32>,
      %get3A_112 = vector.shape_cast %get3A_111 : vector<1x16xf32> to vector<16xf32>
      %select_n3A_113 = arith.select %gt3A_32, %get3A_112, %broadcast_in_dim3A_33 : vector<16xi1>, vector<16xf32>
      %swap3A_114 = arith.constant 0 : i32
      %swap3A_115 = arith.index_cast %swap3A_114 : i32 to index
      %swap3A_116 = arith.index_cast %mul3A_107 : i32 to index
      %swap3A_117 = tpu.vector_load %arg10[%swap3A_115, %swap3A_116] {strides = array<i32>} : memref<1x1024xf32, #tpu.memory_space<vmem>>, vector<1x16xf32>,
      %swap3A_118 = vector.shape_cast %swap3A_117 : vector<1x16xf32> to vector<16xf32>
      %swap3A_119 = vector.shape_cast %select_n3A_113 : vector<16xf32> to vector<1x16xf32>
      tpu.vector_store %arg10[%swap3A_115, %swap3A_116], %swap3A_119 {strides = array<i32>} : memref<1x1024xf32, #tpu.memory_space<vmem>>, vector<1x16xf32>,
      %scan3A_120 = arith.constant 4 : i32
      %scan3A_121 = arith.addi %scan3A_57, %scan3A_120 : i32
      %mul3A_122 = arith.constant 16 : i32
      %mul3A_123 = arith.muli %scan3A_121, %mul3A_122 : i32
      %get3A_124 = arith.constant 0 : i32
      %get3A_125 = arith.index_cast %get3A_124 : i32 to index
      %get3A_126 = arith.index_cast %mul3A_123 : i32 to index
      %get3A_127 = tpu.vector_load %arg10[%get3A_125, %get3A_126] {strides = array<i32>} : memref<1x1024xf32, #tpu.memory_space<vmem>>, vector<1x16xf32>,
      %get3A_128 = vector.shape_cast %get3A_127 : vector<1x16xf32> to vector<16xf32>
      %select_n3A_129 = arith.select %gt3A_32, %get3A_128, %broadcast_in_dim3A_33 : vector<16xi1>, vector<16xf32>
      %swap3A_130 = arith.constant 0 : i32
      %swap3A_131 = arith.index_cast %swap3A_130 : i32 to index
      %swap3A_132 = arith.index_cast %mul3A_123 : i32 to index
      %swap3A_133 = tpu.vector_load %arg10[%swap3A_131, %swap3A_132] {strides = array<i32>} : memref<1x1024xf32, #tpu.memory_space<vmem>>, vector<1x16xf32>,
      %swap3A_134 = vector.shape_cast %swap3A_133 : vector<1x16xf32> to vector<16xf32>
      %swap3A_135 = vector.shape_cast %select_n3A_129 : vector<16xf32> to vector<1x16xf32>
      tpu.vector_store %arg10[%swap3A_131, %swap3A_132], %swap3A_135 {strides = array<i32>} : memref<1x1024xf32, #tpu.memory_space<vmem>>, vector<1x16xf32>,
      %scan3A_136 = arith.constant 5 : i32
      %scan3A_137 = arith.addi %scan3A_57, %scan3A_136 : i32
      %mul3A_138 = arith.constant 16 : i32
      %mul3A_139 = arith.muli %scan3A_137, %mul3A_138 : i32
      %get3A_140 = arith.constant 0 : i32
      %get3A_141 = arith.index_cast %get3A_140 : i32 to index
      %get3A_142 = arith.index_cast %mul3A_139 : i32 to index
      %get3A_143 = tpu.vector_load %arg10[%get3A_141, %get3A_142] {strides = array<i32>} : memref<1x1024xf32, #tpu.memory_space<vmem>>, vector<1x16xf32>,
      %get3A_144 = vector.shape_cast %get3A_143 : vector<1x16xf32> to vector<16xf32>
      %select_n3A_145 = arith.select %gt3A_32, %get3A_144, %broadcast_in_dim3A_33 : vector<16xi1>, vector<16xf32>
      %swap3A_146 = arith.constant 0 : i32
      %swap3A_147 = arith.index_cast %swap3A_146 : i32 to index
      %swap3A_148 = arith.index_cast %mul3A_139 : i32 to index
      %swap3A_149 = tpu.vector_load %arg10[%swap3A_147, %swap3A_148] {strides = array<i32>} : memref<1x1024xf32, #tpu.memory_space<vmem>>, vector<1x16xf32>,
      %swap3A_150 = vector.shape_cast %swap3A_149 : vector<1x16xf32> to vector<16xf32>
      %swap3A_151 = vector.shape_cast %select_n3A_145 : vector<16xf32> to vector<1x16xf32>
      tpu.vector_store %arg10[%swap3A_147, %swap3A_148], %swap3A_151 {strides = array<i32>} : memref<1x1024xf32, #tpu.memory_space<vmem>>, vector<1x16xf32>,
      %scan3A_152 = arith.constant 6 : i32
      %scan3A_153 = arith.addi %scan3A_57, %scan3A_152 : i32
      %mul3A_154 = arith.constant 16 : i32
      %mul3A_155 = arith.muli %scan3A_153, %mul3A_154 : i32
      %get3A_156 = arith.constant 0 : i32
      %get3A_157 = arith.index_cast %get3A_156 : i32 to index
      %get3A_158 = arith.index_cast %mul3A_155 : i32 to index
      %get3A_159 = tpu.vector_load %arg10[%get3A_157, %get3A_158] {strides = array<i32>} : memref<1x1024xf32, #tpu.memory_space<vmem>>, vector<1x16xf32>,
      %get3A_160 = vector.shape_cast %get3A_159 : vector<1x16xf32> to vector<16xf32>
      %select_n3A_161 = arith.select %gt3A_32, %get3A_160, %broadcast_in_dim3A_33 : vector<16xi1>, vector<16xf32>
      %swap3A_162 = arith.constant 0 : i32
      %swap3A_163 = arith.index_cast %swap3A_162 : i32 to index
      %swap3A_164 = arith.index_cast %mul3A_155 : i32 to index
      %swap3A_165 = tpu.vector_load %arg10[%swap3A_163, %swap3A_164] {strides = array<i32>} : memref<1x1024xf32, #tpu.memory_space<vmem>>, vector<1x16xf32>,
      %swap3A_166 = vector.shape_cast %swap3A_165 : vector<1x16xf32> to vector<16xf32>
      %swap3A_167 = vector.shape_cast %select_n3A_161 : vector<16xf32> to vector<1x16xf32>
      tpu.vector_store %arg10[%swap3A_163, %swap3A_164], %swap3A_167 {strides = array<i32>} : memref<1x1024xf32, #tpu.memory_space<vmem>>, vector<1x16xf32>,
      %scan3A_168 = arith.constant 7 : i32
      %scan3A_169 = arith.addi %scan3A_57, %scan3A_168 : i32
      %mul3A_170 = arith.constant 16 : i32
      %mul3A_171 = arith.muli %scan3A_169, %mul3A_170 : i32
      %get3A_172 = arith.constant 0 : i32
      %get3A_173 = arith.index_cast %get3A_172 : i32 to index
      %get3A_174 = arith.index_cast %mul3A_171 : i32 to index
      %get3A_175 = tpu.vector_load %arg10[%get3A_173, %get3A_174] {strides = array<i32>} : memref<1x1024xf32, #tpu.memory_space<vmem>>, vector<1x16xf32>,
      %get3A_176 = vector.shape_cast %get3A_175 : vector<1x16xf32> to vector<16xf32>
      %select_n3A_177 = arith.select %gt3A_32, %get3A_176, %broadcast_in_dim3A_33 : vector<16xi1>, vector<16xf32>
      %swap3A_178 = arith.constant 0 : i32
      %swap3A_179 = arith.index_cast %swap3A_178 : i32 to index
      %swap3A_180 = arith.index_cast %mul3A_171 : i32 to index
      %swap3A_181 = tpu.vector_load %arg10[%swap3A_179, %swap3A_180] {strides = array<i32>} : memref<1x1024xf32, #tpu.memory_space<vmem>>, vector<1x16xf32>,
      %swap3A_182 = vector.shape_cast %swap3A_181 : vector<1x16xf32> to vector<16xf32>
      %swap3A_183 = vector.shape_cast %select_n3A_177 : vector<16xf32> to vector<1x16xf32>
      tpu.vector_store %arg10[%swap3A_179, %swap3A_180], %swap3A_183 {strides = array<i32>} : memref<1x1024xf32, #tpu.memory_space<vmem>>, vector<1x16xf32>,
    }
    %scan3A_56 = arith.constant 64 : i32
    %run_scoped3A = arith.constant 0 : i32
    "tpu.region"() ({
      %run_scoped3A_57 = tpu.sem_alloc : memref<!tpu.dma_semaphore, #tpu.memory_space<semaphore_mem>>
      %dma_start3A_58 = arith.constant 0 : i32
      %dma_start3A_59 = tpu.memref_slice %arg10[%run_scoped3A, %dma_start3A_58] : memref<1x1024xf32, #tpu.memory_space<vmem>> -> memref<1x1024xf32, #tpu.memory_space<vmem>>
      %dma_start3A_60 = tpu.memref_squeeze %dma_start3A_59 : memref<1x1024xf32, #tpu.memory_space<vmem>> -> memref<1024xf32, #tpu.memory_space<vmem>>
      %dma_start3A_61 = arith.constant 0 : i32
      %dma_start3A_62 = tpu.memref_slice %arg7[%add3A, %dma_start3A_61] : memref<32x1024xf32, #tpu.memory_space<hbm>> -> memref<1x1024xf32, #tpu.memory_space<hbm>>
      %dma_start3A_63 = tpu.memref_squeeze %dma_start3A_62 : memref<1x1024xf32, #tpu.memory_space<hbm>> -> memref<1024xf32, #tpu.memory_space<hbm>>
      %dma_start3A_64 = arith.constant 0 : i32
      %dma_start3A_65 = tpu.memref_slice %arg7[%add3A, %dma_start3A_64] : memref<32x1024xf32, #tpu.memory_space<hbm>> -> memref<1x1024xf32, #tpu.memory_space<hbm>>
      %dma_start3A_66 = tpu.memref_squeeze %dma_start3A_65 : memref<1x1024xf32, #tpu.memory_space<hbm>> -> memref<1024xf32, #tpu.memory_space<hbm>>
      %dma_start3A_67 = arith.constant 0 : i32
      %dma_start3A_68 = tpu.memref_slice %arg10[%run_scoped3A, %dma_start3A_67] : memref<1x1024xf32, #tpu.memory_space<vmem>> -> memref<1x1024xf32, #tpu.memory_space<vmem>>
      %dma_start3A_69 = tpu.memref_squeeze %dma_start3A_68 : memref<1x1024xf32, #tpu.memory_space<vmem>> -> memref<1024xf32, #tpu.memory_space<vmem>>
      tpu.enqueue_dma source(%dma_start3A_69 : memref<1024xf32, #tpu.memory_space<vmem>>) target(%dma_start3A_66 : memref<1024xf32, #tpu.memory_space<hbm>>) target_semaphore(%run_scoped3A_57 : memref<!tpu.dma_semaphore, #tpu.memory_space<semaphore_mem>>)
      %dma_wait3A_70 = arith.constant 0 : i32
      %dma_wait3A_71 = tpu.memref_slice %arg10[%run_scoped3A, %dma_wait3A_70] : memref<1x1024xf32, #tpu.memory_space<vmem>> -> memref<1x1024xf32, #tpu.memory_space<vmem>>
      %dma_wait3A_72 = tpu.memref_squeeze %dma_wait3A_71 : memref<1x1024xf32, #tpu.memory_space<vmem>> -> memref<1024xf32, #tpu.memory_space<vmem>>
      %dma_wait3A_73 = arith.constant 0 : i32
      %dma_wait3A_74 = tpu.memref_slice %arg7[%add3A, %dma_wait3A_73] : memref<32x1024xf32, #tpu.memory_space<hbm>> -> memref<1x1024xf32, #tpu.memory_space<hbm>>
      %dma_wait3A_75 = tpu.memref_squeeze %dma_wait3A_74 : memref<1x1024xf32, #tpu.memory_space<hbm>> -> memref<1024xf32, #tpu.memory_space<hbm>>
      %dma_wait3A_76 = arith.constant 0 : i32
      %dma_wait3A_77 = tpu.memref_slice %arg7[%add3A, %dma_wait3A_76] : memref<32x1024xf32, #tpu.memory_space<hbm>> -> memref<1x1024xf32, #tpu.memory_space<hbm>>
      %dma_wait3A_78 = tpu.memref_squeeze %dma_wait3A_77 : memref<1x1024xf32, #tpu.memory_space<hbm>> -> memref<1024xf32, #tpu.memory_space<hbm>>
      %dma_wait3A_79 = arith.constant 0 : i32
      %dma_wait3A_80 = tpu.memref_slice %arg10[%run_scoped3A, %dma_wait3A_79] : memref<1x1024xf32, #tpu.memory_space<vmem>> -> memref<1x1024xf32, #tpu.memory_space<vmem>>
      %dma_wait3A_81 = tpu.memref_squeeze %dma_wait3A_80 : memref<1x1024xf32, #tpu.memory_space<vmem>> -> memref<1024xf32, #tpu.memory_space<vmem>>
      tpu.wait_dma2 semaphore(%run_scoped3A_57 : memref<!tpu.dma_semaphore, #tpu.memory_space<semaphore_mem>>) src(%dma_wait3A_81 : memref<1024xf32, #tpu.memory_space<vmem>>) dst(%dma_wait3A_78 : memref<1024xf32, #tpu.memory_space<hbm>>)
      tpu.yield
    }) : () -> ()
    "tpu.region"() ({
      %run_scoped3A_57 = tpu.sem_alloc : memref<!tpu.dma_semaphore, #tpu.memory_space<semaphore_mem>>
      %dma_start3A_58 = arith.constant 0 : i32
      %dma_start3A_59 = tpu.memref_slice %arg8[%add3A, %dma_start3A_58] : memref<32x128xf32, #tpu.memory_space<hbm>> -> memref<1x128xf32, #tpu.memory_space<hbm>>
      %dma_start3A_60 = tpu.memref_squeeze %dma_start3A_59 : memref<1x128xf32, #tpu.memory_space<hbm>> -> memref<128xf32, #tpu.memory_space<hbm>>
      %dma_start3A_61 = arith.constant 0 : i32
      %dma_start3A_62 = tpu.memref_slice %arg8[%add3A, %dma_start3A_61] : memref<32x128xf32, #tpu.memory_space<hbm>> -> memref<1x128xf32, #tpu.memory_space<hbm>>
      %dma_start3A_63 = tpu.memref_squeeze %dma_start3A_62 : memref<1x128xf32, #tpu.memory_space<hbm>> -> memref<128xf32, #tpu.memory_space<hbm>>
      tpu.enqueue_dma source(%arg14 : memref<128xf32, #tpu.memory_space<vmem>>) target(%dma_start3A_63 : memref<128xf32, #tpu.memory_space<hbm>>) target_semaphore(%run_scoped3A_57 : memref<!tpu.dma_semaphore, #tpu.memory_space<semaphore_mem>>)
      %dma_wait3A_64 = arith.constant 0 : i32
      %dma_wait3A_65 = tpu.memref_slice %arg8[%add3A, %dma_wait3A_64] : memref<32x128xf32, #tpu.memory_space<hbm>> -> memref<1x128xf32, #tpu.memory_space<hbm>>
      %dma_wait3A_66 = tpu.memref_squeeze %dma_wait3A_65 : memref<1x128xf32, #tpu.memory_space<hbm>> -> memref<128xf32, #tpu.memory_space<hbm>>
      %dma_wait3A_67 = arith.constant 0 : i32
      %dma_wait3A_68 = tpu.memref_slice %arg8[%add3A, %dma_wait3A_67] : memref<32x128xf32, #tpu.memory_space<hbm>> -> memref<1x128xf32, #tpu.memory_space<hbm>>
      %dma_wait3A_69 = tpu.memref_squeeze %dma_wait3A_68 : memref<1x128xf32, #tpu.memory_space<hbm>> -> memref<128xf32, #tpu.memory_space<hbm>>
      tpu.wait_dma2 semaphore(%run_scoped3A_57 : memref<!tpu.dma_semaphore, #tpu.memory_space<semaphore_mem>>) src(%arg14 : memref<128xf32, #tpu.memory_space<vmem>>) dst(%dma_wait3A_69 : memref<128xf32, #tpu.memory_space<hbm>>)
      tpu.yield
    }) : () -> ()
    return
  }
}

module attributes {stable_mosaic.version = 14 : i64} {
  func.func @_stage1_body(%arg0: i32, %arg1: i32, %arg2: memref<26xi32, #tpu.memory_space<smem>>, %arg3: memref<1x1024x128xf32, #tpu.memory_space<vmem>>, %arg4: memref<1x1152x256xbf16, #tpu.memory_space<vmem>>, %arg5: memref<1x8x256xf32, #tpu.memory_space<vmem>>, %arg6: memref<1x1152x128xbf16, #tpu.memory_space<vmem>>, %arg7: memref<1x8x128xf32, #tpu.memory_space<vmem>>, %arg8: memref<1x1152x8xbf16, #tpu.memory_space<vmem>>, %arg9: memref<1x8x128xf32, #tpu.memory_space<vmem>>, %arg10: memref<1x128x128xf32, #tpu.memory_space<vmem>>, %arg11: memref<1x8x128xf32, #tpu.memory_space<vmem>>, %arg12: memref<1x1x32x32xf32, #tpu.memory_space<vmem>>, %arg13: memref<1x1x8x128xf32, #tpu.memory_space<vmem>>) attributes {dimension_semantics = [#tpu.dimension_semantics<arbitrary>, #tpu.dimension_semantics<arbitrary>], iteration_bounds = array<i64: 13, 2>, scalar_prefetch = 1 : i64, scratch_operands = 0 : i64, tpu.core_type = #tpu.core_type<tc>, window_params = [{transform_indices = @transform_0, window_bounds = array<i64: 1, 1024, 128>}, {transform_indices = @transform_1, window_bounds = array<i64: 1, 1152, 256>}, {transform_indices = @transform_2, window_bounds = array<i64: 1, 8, 256>}, {transform_indices = @transform_3, window_bounds = array<i64: 1, 1152, 128>}, {transform_indices = @transform_4, window_bounds = array<i64: 1, 8, 128>}, {transform_indices = @transform_5, window_bounds = array<i64: 1, 1152, 8>}, {transform_indices = @transform_6, window_bounds = array<i64: 1, 8, 128>}, {transform_indices = @transform_7, window_bounds = array<i64: 1, 128, 128>}, {transform_indices = @transform_8, window_bounds = array<i64: 1, 8, 128>}, {transform_indices = @transform_9, window_bounds = array<i64: 1, 1, 32, 32>}, {transform_indices = @transform_10, window_bounds = array<i64: 1, 1, 8, 128>}]} {
    %mul3A = arith.constant 2 : i32
    %mul3A_0 = arith.muli %arg0, %mul3A : i32
    %add3A = arith.addi %mul3A_0, %arg1 : i32
    %get3A = arith.index_cast %add3A : i32 to index
    %get3A_1 = memref.load %arg2[%get3A] : memref<26xi32, #tpu.memory_space<smem>>
    %gt3A = arith.constant 0 : i32
    %gt3A_2 = arith.cmpi sgt, %get3A_1, %gt3A : i32
    %convert_element_type3A = arith.extui %gt3A_2 : i1 to i32
    %cond3A = arith.constant 0 : i32
    %cond3A_3 = arith.cmpi ne, %convert_element_type3A, %cond3A : i32
    scf.if %cond3A_3 {
      %get3A_4 = arith.constant 0 : index
      %get3A_5 = arith.constant 0 : index
      %get3A_6 = arith.constant 0 : index
      %get3A_7 = vector.load %arg3[%get3A_4, %get3A_5, %get3A_6] : memref<1x1024x128xf32, #tpu.memory_space<vmem>>, vector<1x1024x128xf32>
      %get3A_8 = vector.shape_cast %get3A_7 : vector<1x1024x128xf32> to vector<1024x128xf32>
      %iota3A = tpu.iota {dimensions = array<i32: 0>} : vector<1024x1xi32>
      %jit3A = arith.constant 32 : i32
      %eq3A = arith.constant 0 : i32
      %eq3A_9 = arith.cmpi eq, %jit3A, %eq3A : i32
      %jit3A_10 = arith.constant 1 : i32
      %select_n3A = arith.select %eq3A_9, %jit3A_10, %jit3A : i32
      %rem3A = vector.broadcast %select_n3A : i32 to vector<1024x1xi32>
      %rem3A_11 = arith.remsi %iota3A, %rem3A : vector<1024x1xi32>
      %ne3A = arith.constant 0 : i32
      %ne3A_12 = vector.broadcast %ne3A : i32 to vector<1024x1xi32>
      %ne3A_13 = arith.cmpi ne, %rem3A_11, %ne3A_12 : vector<1024x1xi32>
      %lt3A = arith.constant 0 : i32
      %lt3A_14 = vector.broadcast %lt3A : i32 to vector<1024x1xi32>
      %lt3A_15 = arith.cmpi slt, %rem3A_11, %lt3A_14 : vector<1024x1xi32>
      %lt3A_16 = arith.constant 0 : i32
      %lt3A_17 = arith.cmpi slt, %select_n3A, %lt3A_16 : i32
      %ne3A_18 = vector.broadcast %lt3A_17 : i1 to vector<1024x1xi1>
      %ne3A_19 = vector.broadcast %ne3A_18 : vector<1024x1xi1> to vector<1024x1xi1>
      %ne3A_20 = arith.xori %lt3A_15, %ne3A_19 : vector<1024x1xi1>
      %and3A = arith.andi %ne3A_20, %ne3A_13 : vector<1024x1xi1>
      %add3A_21 = vector.broadcast %select_n3A : i32 to vector<1024x1xi32>
      %add3A_22 = arith.addi %rem3A_11, %add3A_21 : vector<1024x1xi32>
      %select_n3A_23 = arith.select %and3A, %add3A_22, %rem3A_11 : vector<1024x1xi1>, vector<1024x1xi32>
      %get3A_24 = arith.constant 0 : index
      %get3A_25 = arith.constant 0 : index
      %get3A_26 = arith.constant 0 : index
      %get3A_27 = vector.load %arg4[%get3A_24, %get3A_25, %get3A_26] : memref<1x1152x256xbf16, #tpu.memory_space<vmem>>, vector<1x1152x256xbf16>
      %get3A_28 = vector.shape_cast %get3A_27 : vector<1x1152x256xbf16> to vector<1152x256xbf16>
      %get3A_29 = arith.constant 0 : index
      %get3A_30 = arith.constant 0 : index
      %get3A_31 = arith.constant 0 : index
      %get3A_32 = vector.load %arg5[%get3A_29, %get3A_30, %get3A_31] : memref<1x8x256xf32, #tpu.memory_space<vmem>>, vector<1x1x256xf32>
      %get3A_33 = vector.shape_cast %get3A_32 : vector<1x1x256xf32> to vector<256xf32>
      %convert_element_type3A_34 = arith.truncf %get3A_8 : vector<1024x128xf32> to vector<1024x128xbf16>
      %broadcast_in_dim3A = arith.constant 0.000000e+00 : f32
      %broadcast_in_dim3A_35 = vector.broadcast %broadcast_in_dim3A : f32 to vector<1024x256xf32>
      %slice3A = vector.extract_strided_slice %get3A_28 {offsets = [0, 0], sizes = [128, 256], strides = [1, 1]} : vector<1152x256xbf16> to vector<128x256xbf16>
      %dot_general3A = arith.constant dense<0.000000e+00> : vector<1024x256xf32>
      %dot_general3A_36 = tpu.matmul %convert_element_type3A_34, %slice3A, %dot_general3A {dimension_numbers = #tpu.dot_dimension_numbers<[1], [0], [0], [1], [0, 0, 1, 1], [], []>, transpose_lhs_hint = false} : vector<1024x128xbf16>, vector<128x256xbf16>, vector<1024x256xf32> -> vector<1024x256xf32>
      %broadcast_in_dim3A_37 = arith.constant 0.000000e+00 : f32
      %broadcast_in_dim3A_38 = vector.broadcast %broadcast_in_dim3A_37 : f32 to vector<33x256xf32>
      %slice3A_39 = vector.extract_strided_slice %dot_general3A_36 {offsets = [0, 0], sizes = [991, 256], strides = [1, 1]} : vector<1024x256xf32> to vector<991x256xf32>
      %concatenate3A = tpu.concatenate %broadcast_in_dim3A_38, %slice3A_39 in 0 : vector<33x256xf32>, vector<991x256xf32> -> vector<1024x256xf32>
      %gt3A_40 = arith.constant 0 : i32
      %gt3A_41 = vector.broadcast %gt3A_40 : i32 to vector<1024x1xi32>
      %gt3A_42 = arith.cmpi sgt, %select_n3A_23, %gt3A_41 : vector<1024x1xi32>
      %jit3A_43 = arith.constant 0.000000e+00 : f32
      %broadcast_in_dim3A_44 = vector.shape_cast %gt3A_42 : vector<1024x1xi1> to vector<1024x1xi1>
      %broadcast_in_dim3A_45 = vector.broadcast %broadcast_in_dim3A_44 : vector<1024x1xi1> to vector<1024x256xi1>
      %broadcast_in_dim3A_46 = vector.broadcast %jit3A_43 : f32 to vector<1024x256xf32>
      %select_n3A_47 = arith.select %broadcast_in_dim3A_45, %concatenate3A, %broadcast_in_dim3A_46 : vector<1024x256xi1>, vector<1024x256xf32>
      %add3A_48 = arith.addf %broadcast_in_dim3A_35, %select_n3A_47 : vector<1024x256xf32>
      %slice3A_49 = vector.extract_strided_slice %get3A_28 {offsets = [128, 0], sizes = [128, 256], strides = [1, 1]} : vector<1152x256xbf16> to vector<128x256xbf16>
      %dot_general3A_50 = arith.constant dense<0.000000e+00> : vector<1024x256xf32>
      %dot_general3A_51 = tpu.matmul %convert_element_type3A_34, %slice3A_49, %dot_general3A_50 {dimension_numbers = #tpu.dot_dimension_numbers<[1], [0], [0], [1], [0, 0, 1, 1], [], []>, transpose_lhs_hint = false} : vector<1024x128xbf16>, vector<128x256xbf16>, vector<1024x256xf32> -> vector<1024x256xf32>
      %broadcast_in_dim3A_52 = arith.constant 0.000000e+00 : f32
      %broadcast_in_dim3A_53 = vector.broadcast %broadcast_in_dim3A_52 : f32 to vector<32x256xf32>
      %slice3A_54 = vector.extract_strided_slice %dot_general3A_51 {offsets = [0, 0], sizes = [992, 256], strides = [1, 1]} : vector<1024x256xf32> to vector<992x256xf32>
      %concatenate3A_55 = tpu.concatenate %broadcast_in_dim3A_53, %slice3A_54 in 0 : vector<32x256xf32>, vector<992x256xf32> -> vector<1024x256xf32>
      %add3A_56 = arith.addf %add3A_48, %concatenate3A_55 : vector<1024x256xf32>
      %slice3A_57 = vector.extract_strided_slice %get3A_28 {offsets = [256, 0], sizes = [128, 256], strides = [1, 1]} : vector<1152x256xbf16> to vector<128x256xbf16>
      %dot_general3A_58 = arith.constant dense<0.000000e+00> : vector<1024x256xf32>
      %dot_general3A_59 = tpu.matmul %convert_element_type3A_34, %slice3A_57, %dot_general3A_58 {dimension_numbers = #tpu.dot_dimension_numbers<[1], [0], [0], [1], [0, 0, 1, 1], [], []>, transpose_lhs_hint = false} : vector<1024x128xbf16>, vector<128x256xbf16>, vector<1024x256xf32> -> vector<1024x256xf32>
      %broadcast_in_dim3A_60 = arith.constant 0.000000e+00 : f32
      %broadcast_in_dim3A_61 = vector.broadcast %broadcast_in_dim3A_60 : f32 to vector<31x256xf32>
      %slice3A_62 = vector.extract_strided_slice %dot_general3A_59 {offsets = [0, 0], sizes = [993, 256], strides = [1, 1]} : vector<1024x256xf32> to vector<993x256xf32>
      %concatenate3A_63 = tpu.concatenate %broadcast_in_dim3A_61, %slice3A_62 in 0 : vector<31x256xf32>, vector<993x256xf32> -> vector<1024x256xf32>
      %lt3A_64 = arith.constant 31 : i32
      %lt3A_65 = vector.broadcast %lt3A_64 : i32 to vector<1024x1xi32>
      %lt3A_66 = arith.cmpi slt, %select_n3A_23, %lt3A_65 : vector<1024x1xi32>
      %jit3A_67 = arith.constant 0.000000e+00 : f32
      %broadcast_in_dim3A_68 = vector.shape_cast %lt3A_66 : vector<1024x1xi1> to vector<1024x1xi1>
      %broadcast_in_dim3A_69 = vector.broadcast %broadcast_in_dim3A_68 : vector<1024x1xi1> to vector<1024x256xi1>
      %broadcast_in_dim3A_70 = vector.broadcast %jit3A_67 : f32 to vector<1024x256xf32>
      %select_n3A_71 = arith.select %broadcast_in_dim3A_69, %concatenate3A_63, %broadcast_in_dim3A_70 : vector<1024x256xi1>, vector<1024x256xf32>
      %add3A_72 = arith.addf %add3A_56, %select_n3A_71 : vector<1024x256xf32>
      %slice3A_73 = vector.extract_strided_slice %get3A_28 {offsets = [384, 0], sizes = [128, 256], strides = [1, 1]} : vector<1152x256xbf16> to vector<128x256xbf16>
      %dot_general3A_74 = arith.constant dense<0.000000e+00> : vector<1024x256xf32>
      %dot_general3A_75 = tpu.matmul %convert_element_type3A_34, %slice3A_73, %dot_general3A_74 {dimension_numbers = #tpu.dot_dimension_numbers<[1], [0], [0], [1], [0, 0, 1, 1], [], []>, transpose_lhs_hint = false} : vector<1024x128xbf16>, vector<128x256xbf16>, vector<1024x256xf32> -> vector<1024x256xf32>
      %broadcast_in_dim3A_76 = arith.constant 0.000000e+00 : f32
      %broadcast_in_dim3A_77 = vector.broadcast %broadcast_in_dim3A_76 : f32 to vector<1x256xf32>
      %slice3A_78 = vector.extract_strided_slice %dot_general3A_75 {offsets = [0, 0], sizes = [1023, 256], strides = [1, 1]} : vector<1024x256xf32> to vector<1023x256xf32>
      %concatenate3A_79 = tpu.concatenate %broadcast_in_dim3A_77, %slice3A_78 in 0 : vector<1x256xf32>, vector<1023x256xf32> -> vector<1024x256xf32>
      %gt3A_80 = arith.constant 0 : i32
      %gt3A_81 = vector.broadcast %gt3A_80 : i32 to vector<1024x1xi32>
      %gt3A_82 = arith.cmpi sgt, %select_n3A_23, %gt3A_81 : vector<1024x1xi32>
      %jit3A_83 = arith.constant 0.000000e+00 : f32
      %broadcast_in_dim3A_84 = vector.shape_cast %gt3A_82 : vector<1024x1xi1> to vector<1024x1xi1>
      %broadcast_in_dim3A_85 = vector.broadcast %broadcast_in_dim3A_84 : vector<1024x1xi1> to vector<1024x256xi1>
      %broadcast_in_dim3A_86 = vector.broadcast %jit3A_83 : f32 to vector<1024x256xf32>
      %select_n3A_87 = arith.select %broadcast_in_dim3A_85, %concatenate3A_79, %broadcast_in_dim3A_86 : vector<1024x256xi1>, vector<1024x256xf32>
      %add3A_88 = arith.addf %add3A_72, %select_n3A_87 : vector<1024x256xf32>
      %slice3A_89 = vector.extract_strided_slice %get3A_28 {offsets = [512, 0], sizes = [128, 256], strides = [1, 1]} : vector<1152x256xbf16> to vector<128x256xbf16>
      %dot_general3A_90 = arith.constant dense<0.000000e+00> : vector<1024x256xf32>
      %dot_general3A_91 = tpu.matmul %convert_element_type3A_34, %slice3A_89, %dot_general3A_90 {dimension_numbers = #tpu.dot_dimension_numbers<[1], [0], [0], [1], [0, 0, 1, 1], [], []>, transpose_lhs_hint = false} : vector<1024x128xbf16>, vector<128x256xbf16>, vector<1024x256xf32> -> vector<1024x256xf32>
      %add3A_92 = arith.addf %add3A_88, %dot_general3A_91 : vector<1024x256xf32>
      %slice3A_93 = vector.extract_strided_slice %get3A_28 {offsets = [640, 0], sizes = [128, 256], strides = [1, 1]} : vector<1152x256xbf16> to vector<128x256xbf16>
      %dot_general3A_94 = arith.constant dense<0.000000e+00> : vector<1024x256xf32>
      %dot_general3A_95 = tpu.matmul %convert_element_type3A_34, %slice3A_93, %dot_general3A_94 {dimension_numbers = #tpu.dot_dimension_numbers<[1], [0], [0], [1], [0, 0, 1, 1], [], []>, transpose_lhs_hint = false} : vector<1024x128xbf16>, vector<128x256xbf16>, vector<1024x256xf32> -> vector<1024x256xf32>
      %broadcast_in_dim3A_96 = arith.constant 0.000000e+00 : f32
      %broadcast_in_dim3A_97 = vector.broadcast %broadcast_in_dim3A_96 : f32 to vector<1x256xf32>
      %slice3A_98 = vector.extract_strided_slice %dot_general3A_95 {offsets = [1, 0], sizes = [1023, 256], strides = [1, 1]} : vector<1024x256xf32> to vector<1023x256xf32>
      %concatenate3A_99 = tpu.concatenate %slice3A_98, %broadcast_in_dim3A_97 in 0 : vector<1023x256xf32>, vector<1x256xf32> -> vector<1024x256xf32>
      %lt3A_100 = arith.constant 31 : i32
      %lt3A_101 = vector.broadcast %lt3A_100 : i32 to vector<1024x1xi32>
      %lt3A_102 = arith.cmpi slt, %select_n3A_23, %lt3A_101 : vector<1024x1xi32>
      %jit3A_103 = arith.constant 0.000000e+00 : f32
      %broadcast_in_dim3A_104 = vector.shape_cast %lt3A_102 : vector<1024x1xi1> to vector<1024x1xi1>
      %broadcast_in_dim3A_105 = vector.broadcast %broadcast_in_dim3A_104 : vector<1024x1xi1> to vector<1024x256xi1>
      %broadcast_in_dim3A_106 = vector.broadcast %jit3A_103 : f32 to vector<1024x256xf32>
      %select_n3A_107 = arith.select %broadcast_in_dim3A_105, %concatenate3A_99, %broadcast_in_dim3A_106 : vector<1024x256xi1>, vector<1024x256xf32>
      %add3A_108 = arith.addf %add3A_92, %select_n3A_107 : vector<1024x256xf32>
      %slice3A_109 = vector.extract_strided_slice %get3A_28 {offsets = [768, 0], sizes = [128, 256], strides = [1, 1]} : vector<1152x256xbf16> to vector<128x256xbf16>
      %dot_general3A_110 = arith.constant dense<0.000000e+00> : vector<1024x256xf32>
      %dot_general3A_111 = tpu.matmul %convert_element_type3A_34, %slice3A_109, %dot_general3A_110 {dimension_numbers = #tpu.dot_dimension_numbers<[1], [0], [0], [1], [0, 0, 1, 1], [], []>, transpose_lhs_hint = false} : vector<1024x128xbf16>, vector<128x256xbf16>, vector<1024x256xf32> -> vector<1024x256xf32>
      %broadcast_in_dim3A_112 = arith.constant 0.000000e+00 : f32
      %broadcast_in_dim3A_113 = vector.broadcast %broadcast_in_dim3A_112 : f32 to vector<31x256xf32>
      %slice3A_114 = vector.extract_strided_slice %dot_general3A_111 {offsets = [31, 0], sizes = [993, 256], strides = [1, 1]} : vector<1024x256xf32> to vector<993x256xf32>
      %concatenate3A_115 = tpu.concatenate %slice3A_114, %broadcast_in_dim3A_113 in 0 : vector<993x256xf32>, vector<31x256xf32> -> vector<1024x256xf32>
      %gt3A_116 = arith.constant 0 : i32
      %gt3A_117 = vector.broadcast %gt3A_116 : i32 to vector<1024x1xi32>
      %gt3A_118 = arith.cmpi sgt, %select_n3A_23, %gt3A_117 : vector<1024x1xi32>
      %jit3A_119 = arith.constant 0.000000e+00 : f32
      %broadcast_in_dim3A_120 = vector.shape_cast %gt3A_118 : vector<1024x1xi1> to vector<1024x1xi1>
      %broadcast_in_dim3A_121 = vector.broadcast %broadcast_in_dim3A_120 : vector<1024x1xi1> to vector<1024x256xi1>
      %broadcast_in_dim3A_122 = vector.broadcast %jit3A_119 : f32 to vector<1024x256xf32>
      %select_n3A_123 = arith.select %broadcast_in_dim3A_121, %concatenate3A_115, %broadcast_in_dim3A_122 : vector<1024x256xi1>, vector<1024x256xf32>
      %add3A_124 = arith.addf %add3A_108, %select_n3A_123 : vector<1024x256xf32>
      %slice3A_125 = vector.extract_strided_slice %get3A_28 {offsets = [896, 0], sizes = [128, 256], strides = [1, 1]} : vector<1152x256xbf16> to vector<128x256xbf16>
      %dot_general3A_126 = arith.constant dense<0.000000e+00> : vector<1024x256xf32>
      %dot_general3A_127 = tpu.matmul %convert_element_type3A_34, %slice3A_125, %dot_general3A_126 {dimension_numbers = #tpu.dot_dimension_numbers<[1], [0], [0], [1], [0, 0, 1, 1], [], []>, transpose_lhs_hint = false} : vector<1024x128xbf16>, vector<128x256xbf16>, vector<1024x256xf32> -> vector<1024x256xf32>
      %broadcast_in_dim3A_128 = arith.constant 0.000000e+00 : f32
      %broadcast_in_dim3A_129 = vector.broadcast %broadcast_in_dim3A_128 : f32 to vector<32x256xf32>
      %slice3A_130 = vector.extract_strided_slice %dot_general3A_127 {offsets = [32, 0], sizes = [992, 256], strides = [1, 1]} : vector<1024x256xf32> to vector<992x256xf32>
      %concatenate3A_131 = tpu.concatenate %slice3A_130, %broadcast_in_dim3A_129 in 0 : vector<992x256xf32>, vector<32x256xf32> -> vector<1024x256xf32>
      %add3A_132 = arith.addf %add3A_124, %concatenate3A_131 : vector<1024x256xf32>
      %slice3A_133 = vector.extract_strided_slice %get3A_28 {offsets = [1024, 0], sizes = [128, 256], strides = [1, 1]} : vector<1152x256xbf16> to vector<128x256xbf16>
      %dot_general3A_134 = arith.constant dense<0.000000e+00> : vector<1024x256xf32>
      %dot_general3A_135 = tpu.matmul %convert_element_type3A_34, %slice3A_133, %dot_general3A_134 {dimension_numbers = #tpu.dot_dimension_numbers<[1], [0], [0], [1], [0, 0, 1, 1], [], []>, transpose_lhs_hint = false} : vector<1024x128xbf16>, vector<128x256xbf16>, vector<1024x256xf32> -> vector<1024x256xf32>
      %broadcast_in_dim3A_136 = arith.constant 0.000000e+00 : f32
      %broadcast_in_dim3A_137 = vector.broadcast %broadcast_in_dim3A_136 : f32 to vector<33x256xf32>
      %slice3A_138 = vector.extract_strided_slice %dot_general3A_135 {offsets = [33, 0], sizes = [991, 256], strides = [1, 1]} : vector<1024x256xf32> to vector<991x256xf32>
      %concatenate3A_139 = tpu.concatenate %slice3A_138, %broadcast_in_dim3A_137 in 0 : vector<991x256xf32>, vector<33x256xf32> -> vector<1024x256xf32>
      %lt3A_140 = arith.constant 31 : i32
      %lt3A_141 = vector.broadcast %lt3A_140 : i32 to vector<1024x1xi32>
      %lt3A_142 = arith.cmpi slt, %select_n3A_23, %lt3A_141 : vector<1024x1xi32>
      %jit3A_143 = arith.constant 0.000000e+00 : f32
      %broadcast_in_dim3A_144 = vector.shape_cast %lt3A_142 : vector<1024x1xi1> to vector<1024x1xi1>
      %broadcast_in_dim3A_145 = vector.broadcast %broadcast_in_dim3A_144 : vector<1024x1xi1> to vector<1024x256xi1>
      %broadcast_in_dim3A_146 = vector.broadcast %jit3A_143 : f32 to vector<1024x256xf32>
      %select_n3A_147 = arith.select %broadcast_in_dim3A_145, %concatenate3A_139, %broadcast_in_dim3A_146 : vector<1024x256xi1>, vector<1024x256xf32>
      %add3A_148 = arith.addf %add3A_132, %select_n3A_147 : vector<1024x256xf32>
      %broadcast_in_dim3A_149 = vector.shape_cast %get3A_33 : vector<256xf32> to vector<1x256xf32>
      %add3A_150 = vector.broadcast %broadcast_in_dim3A_149 : vector<1x256xf32> to vector<1024x256xf32>
      %add3A_151 = arith.addf %add3A_148, %add3A_150 : vector<1024x256xf32>
      %max3A = arith.constant 0.000000e+00 : f32
      %max3A_152 = vector.broadcast %max3A : f32 to vector<1024x256xf32>
      %max3A_153 = arith.maximumf %add3A_151, %max3A_152 : vector<1024x256xf32>
      %slice3A_154 = vector.extract_strided_slice %max3A_153 {offsets = [0, 0], sizes = [1024, 128], strides = [1, 1]} : vector<1024x256xf32> to vector<1024x128xf32>
      %slice3A_155 = vector.extract_strided_slice %max3A_153 {offsets = [0, 128], sizes = [1024, 128], strides = [1, 1]} : vector<1024x256xf32> to vector<1024x128xf32>
      %get3A_156 = arith.constant 0 : index
      %get3A_157 = arith.constant 0 : index
      %get3A_158 = arith.constant 0 : index
      %get3A_159 = vector.load %arg6[%get3A_156, %get3A_157, %get3A_158] : memref<1x1152x128xbf16, #tpu.memory_space<vmem>>, vector<1x1152x128xbf16>
      %get3A_160 = vector.shape_cast %get3A_159 : vector<1x1152x128xbf16> to vector<1152x128xbf16>
      %get3A_161 = arith.constant 0 : index
      %get3A_162 = arith.constant 0 : index
      %get3A_163 = arith.constant 0 : index
      %get3A_164 = vector.load %arg7[%get3A_161, %get3A_162, %get3A_163] : memref<1x8x128xf32, #tpu.memory_space<vmem>>, vector<1x1x128xf32>
      %get3A_165 = vector.shape_cast %get3A_164 : vector<1x1x128xf32> to vector<128xf32>
      %convert_element_type3A_166 = arith.truncf %slice3A_154 : vector<1024x128xf32> to vector<1024x128xbf16>
      %broadcast_in_dim3A_167 = arith.constant 0.000000e+00 : f32
      %broadcast_in_dim3A_168 = vector.broadcast %broadcast_in_dim3A_167 : f32 to vector<1024x128xf32>
      %slice3A_169 = vector.extract_strided_slice %get3A_160 {offsets = [0, 0], sizes = [128, 128], strides = [1, 1]} : vector<1152x128xbf16> to vector<128x128xbf16>
      %dot_general3A_170 = arith.constant dense<0.000000e+00> : vector<1024x128xf32>
      %dot_general3A_171 = tpu.matmul %convert_element_type3A_166, %slice3A_169, %dot_general3A_170 {dimension_numbers = #tpu.dot_dimension_numbers<[1], [0], [0], [1], [0, 0, 1, 1], [], []>, transpose_lhs_hint = false} : vector<1024x128xbf16>, vector<128x128xbf16>, vector<1024x128xf32> -> vector<1024x128xf32>
      %broadcast_in_dim3A_172 = arith.constant 0.000000e+00 : f32
      %broadcast_in_dim3A_173 = vector.broadcast %broadcast_in_dim3A_172 : f32 to vector<33x128xf32>
      %slice3A_174 = vector.extract_strided_slice %dot_general3A_171 {offsets = [0, 0], sizes = [991, 128], strides = [1, 1]} : vector<1024x128xf32> to vector<991x128xf32>
      %concatenate3A_175 = tpu.concatenate %broadcast_in_dim3A_173, %slice3A_174 in 0 : vector<33x128xf32>, vector<991x128xf32> -> vector<1024x128xf32>
      %gt3A_176 = arith.constant 0 : i32
      %gt3A_177 = vector.broadcast %gt3A_176 : i32 to vector<1024x1xi32>
      %gt3A_178 = arith.cmpi sgt, %select_n3A_23, %gt3A_177 : vector<1024x1xi32>
      %jit3A_179 = arith.constant 0.000000e+00 : f32
      %broadcast_in_dim3A_180 = vector.shape_cast %gt3A_178 : vector<1024x1xi1> to vector<1024x1xi1>
      %broadcast_in_dim3A_181 = vector.broadcast %broadcast_in_dim3A_180 : vector<1024x1xi1> to vector<1024x128xi1>
      %broadcast_in_dim3A_182 = vector.broadcast %jit3A_179 : f32 to vector<1024x128xf32>
      %select_n3A_183 = arith.select %broadcast_in_dim3A_181, %concatenate3A_175, %broadcast_in_dim3A_182 : vector<1024x128xi1>, vector<1024x128xf32>
      %add3A_184 = arith.addf %broadcast_in_dim3A_168, %select_n3A_183 : vector<1024x128xf32>
      %slice3A_185 = vector.extract_strided_slice %get3A_160 {offsets = [128, 0], sizes = [128, 128], strides = [1, 1]} : vector<1152x128xbf16> to vector<128x128xbf16>
      %dot_general3A_186 = arith.constant dense<0.000000e+00> : vector<1024x128xf32>
      %dot_general3A_187 = tpu.matmul %convert_element_type3A_166, %slice3A_185, %dot_general3A_186 {dimension_numbers = #tpu.dot_dimension_numbers<[1], [0], [0], [1], [0, 0, 1, 1], [], []>, transpose_lhs_hint = false} : vector<1024x128xbf16>, vector<128x128xbf16>, vector<1024x128xf32> -> vector<1024x128xf32>
      %broadcast_in_dim3A_188 = arith.constant 0.000000e+00 : f32
      %broadcast_in_dim3A_189 = vector.broadcast %broadcast_in_dim3A_188 : f32 to vector<32x128xf32>
      %slice3A_190 = vector.extract_strided_slice %dot_general3A_187 {offsets = [0, 0], sizes = [992, 128], strides = [1, 1]} : vector<1024x128xf32> to vector<992x128xf32>
      %concatenate3A_191 = tpu.concatenate %broadcast_in_dim3A_189, %slice3A_190 in 0 : vector<32x128xf32>, vector<992x128xf32> -> vector<1024x128xf32>
      %add3A_192 = arith.addf %add3A_184, %concatenate3A_191 : vector<1024x128xf32>
      %slice3A_193 = vector.extract_strided_slice %get3A_160 {offsets = [256, 0], sizes = [128, 128], strides = [1, 1]} : vector<1152x128xbf16> to vector<128x128xbf16>
      %dot_general3A_194 = arith.constant dense<0.000000e+00> : vector<1024x128xf32>
      %dot_general3A_195 = tpu.matmul %convert_element_type3A_166, %slice3A_193, %dot_general3A_194 {dimension_numbers = #tpu.dot_dimension_numbers<[1], [0], [0], [1], [0, 0, 1, 1], [], []>, transpose_lhs_hint = false} : vector<1024x128xbf16>, vector<128x128xbf16>, vector<1024x128xf32> -> vector<1024x128xf32>
      %broadcast_in_dim3A_196 = arith.constant 0.000000e+00 : f32
      %broadcast_in_dim3A_197 = vector.broadcast %broadcast_in_dim3A_196 : f32 to vector<31x128xf32>
      %slice3A_198 = vector.extract_strided_slice %dot_general3A_195 {offsets = [0, 0], sizes = [993, 128], strides = [1, 1]} : vector<1024x128xf32> to vector<993x128xf32>
      %concatenate3A_199 = tpu.concatenate %broadcast_in_dim3A_197, %slice3A_198 in 0 : vector<31x128xf32>, vector<993x128xf32> -> vector<1024x128xf32>
      %lt3A_200 = arith.constant 31 : i32
      %lt3A_201 = vector.broadcast %lt3A_200 : i32 to vector<1024x1xi32>
      %lt3A_202 = arith.cmpi slt, %select_n3A_23, %lt3A_201 : vector<1024x1xi32>
      %jit3A_203 = arith.constant 0.000000e+00 : f32
      %broadcast_in_dim3A_204 = vector.shape_cast %lt3A_202 : vector<1024x1xi1> to vector<1024x1xi1>
      %broadcast_in_dim3A_205 = vector.broadcast %broadcast_in_dim3A_204 : vector<1024x1xi1> to vector<1024x128xi1>
      %broadcast_in_dim3A_206 = vector.broadcast %jit3A_203 : f32 to vector<1024x128xf32>
      %select_n3A_207 = arith.select %broadcast_in_dim3A_205, %concatenate3A_199, %broadcast_in_dim3A_206 : vector<1024x128xi1>, vector<1024x128xf32>
      %add3A_208 = arith.addf %add3A_192, %select_n3A_207 : vector<1024x128xf32>
      %slice3A_209 = vector.extract_strided_slice %get3A_160 {offsets = [384, 0], sizes = [128, 128], strides = [1, 1]} : vector<1152x128xbf16> to vector<128x128xbf16>
      %dot_general3A_210 = arith.constant dense<0.000000e+00> : vector<1024x128xf32>
      %dot_general3A_211 = tpu.matmul %convert_element_type3A_166, %slice3A_209, %dot_general3A_210 {dimension_numbers = #tpu.dot_dimension_numbers<[1], [0], [0], [1], [0, 0, 1, 1], [], []>, transpose_lhs_hint = false} : vector<1024x128xbf16>, vector<128x128xbf16>, vector<1024x128xf32> -> vector<1024x128xf32>
      %broadcast_in_dim3A_212 = arith.constant 0.000000e+00 : f32
      %broadcast_in_dim3A_213 = vector.broadcast %broadcast_in_dim3A_212 : f32 to vector<1x128xf32>
      %slice3A_214 = vector.extract_strided_slice %dot_general3A_211 {offsets = [0, 0], sizes = [1023, 128], strides = [1, 1]} : vector<1024x128xf32> to vector<1023x128xf32>
      %concatenate3A_215 = tpu.concatenate %broadcast_in_dim3A_213, %slice3A_214 in 0 : vector<1x128xf32>, vector<1023x128xf32> -> vector<1024x128xf32>
      %gt3A_216 = arith.constant 0 : i32
      %gt3A_217 = vector.broadcast %gt3A_216 : i32 to vector<1024x1xi32>
      %gt3A_218 = arith.cmpi sgt, %select_n3A_23, %gt3A_217 : vector<1024x1xi32>
      %jit3A_219 = arith.constant 0.000000e+00 : f32
      %broadcast_in_dim3A_220 = vector.shape_cast %gt3A_218 : vector<1024x1xi1> to vector<1024x1xi1>
      %broadcast_in_dim3A_221 = vector.broadcast %broadcast_in_dim3A_220 : vector<1024x1xi1> to vector<1024x128xi1>
      %broadcast_in_dim3A_222 = vector.broadcast %jit3A_219 : f32 to vector<1024x128xf32>
      %select_n3A_223 = arith.select %broadcast_in_dim3A_221, %concatenate3A_215, %broadcast_in_dim3A_222 : vector<1024x128xi1>, vector<1024x128xf32>
      %add3A_224 = arith.addf %add3A_208, %select_n3A_223 : vector<1024x128xf32>
      %slice3A_225 = vector.extract_strided_slice %get3A_160 {offsets = [512, 0], sizes = [128, 128], strides = [1, 1]} : vector<1152x128xbf16> to vector<128x128xbf16>
      %dot_general3A_226 = arith.constant dense<0.000000e+00> : vector<1024x128xf32>
      %dot_general3A_227 = tpu.matmul %convert_element_type3A_166, %slice3A_225, %dot_general3A_226 {dimension_numbers = #tpu.dot_dimension_numbers<[1], [0], [0], [1], [0, 0, 1, 1], [], []>, transpose_lhs_hint = false} : vector<1024x128xbf16>, vector<128x128xbf16>, vector<1024x128xf32> -> vector<1024x128xf32>
      %add3A_228 = arith.addf %add3A_224, %dot_general3A_227 : vector<1024x128xf32>
      %slice3A_229 = vector.extract_strided_slice %get3A_160 {offsets = [640, 0], sizes = [128, 128], strides = [1, 1]} : vector<1152x128xbf16> to vector<128x128xbf16>
      %dot_general3A_230 = arith.constant dense<0.000000e+00> : vector<1024x128xf32>
      %dot_general3A_231 = tpu.matmul %convert_element_type3A_166, %slice3A_229, %dot_general3A_230 {dimension_numbers = #tpu.dot_dimension_numbers<[1], [0], [0], [1], [0, 0, 1, 1], [], []>, transpose_lhs_hint = false} : vector<1024x128xbf16>, vector<128x128xbf16>, vector<1024x128xf32> -> vector<1024x128xf32>
      %broadcast_in_dim3A_232 = arith.constant 0.000000e+00 : f32
      %broadcast_in_dim3A_233 = vector.broadcast %broadcast_in_dim3A_232 : f32 to vector<1x128xf32>
      %slice3A_234 = vector.extract_strided_slice %dot_general3A_231 {offsets = [1, 0], sizes = [1023, 128], strides = [1, 1]} : vector<1024x128xf32> to vector<1023x128xf32>
      %concatenate3A_235 = tpu.concatenate %slice3A_234, %broadcast_in_dim3A_233 in 0 : vector<1023x128xf32>, vector<1x128xf32> -> vector<1024x128xf32>
      %lt3A_236 = arith.constant 31 : i32
      %lt3A_237 = vector.broadcast %lt3A_236 : i32 to vector<1024x1xi32>
      %lt3A_238 = arith.cmpi slt, %select_n3A_23, %lt3A_237 : vector<1024x1xi32>
      %jit3A_239 = arith.constant 0.000000e+00 : f32
      %broadcast_in_dim3A_240 = vector.shape_cast %lt3A_238 : vector<1024x1xi1> to vector<1024x1xi1>
      %broadcast_in_dim3A_241 = vector.broadcast %broadcast_in_dim3A_240 : vector<1024x1xi1> to vector<1024x128xi1>
      %broadcast_in_dim3A_242 = vector.broadcast %jit3A_239 : f32 to vector<1024x128xf32>
      %select_n3A_243 = arith.select %broadcast_in_dim3A_241, %concatenate3A_235, %broadcast_in_dim3A_242 : vector<1024x128xi1>, vector<1024x128xf32>
      %add3A_244 = arith.addf %add3A_228, %select_n3A_243 : vector<1024x128xf32>
      %slice3A_245 = vector.extract_strided_slice %get3A_160 {offsets = [768, 0], sizes = [128, 128], strides = [1, 1]} : vector<1152x128xbf16> to vector<128x128xbf16>
      %dot_general3A_246 = arith.constant dense<0.000000e+00> : vector<1024x128xf32>
      %dot_general3A_247 = tpu.matmul %convert_element_type3A_166, %slice3A_245, %dot_general3A_246 {dimension_numbers = #tpu.dot_dimension_numbers<[1], [0], [0], [1], [0, 0, 1, 1], [], []>, transpose_lhs_hint = false} : vector<1024x128xbf16>, vector<128x128xbf16>, vector<1024x128xf32> -> vector<1024x128xf32>
      %broadcast_in_dim3A_248 = arith.constant 0.000000e+00 : f32
      %broadcast_in_dim3A_249 = vector.broadcast %broadcast_in_dim3A_248 : f32 to vector<31x128xf32>
      %slice3A_250 = vector.extract_strided_slice %dot_general3A_247 {offsets = [31, 0], sizes = [993, 128], strides = [1, 1]} : vector<1024x128xf32> to vector<993x128xf32>
      %concatenate3A_251 = tpu.concatenate %slice3A_250, %broadcast_in_dim3A_249 in 0 : vector<993x128xf32>, vector<31x128xf32> -> vector<1024x128xf32>
      %gt3A_252 = arith.constant 0 : i32
      %gt3A_253 = vector.broadcast %gt3A_252 : i32 to vector<1024x1xi32>
      %gt3A_254 = arith.cmpi sgt, %select_n3A_23, %gt3A_253 : vector<1024x1xi32>
      %jit3A_255 = arith.constant 0.000000e+00 : f32
      %broadcast_in_dim3A_256 = vector.shape_cast %gt3A_254 : vector<1024x1xi1> to vector<1024x1xi1>
      %broadcast_in_dim3A_257 = vector.broadcast %broadcast_in_dim3A_256 : vector<1024x1xi1> to vector<1024x128xi1>
      %broadcast_in_dim3A_258 = vector.broadcast %jit3A_255 : f32 to vector<1024x128xf32>
      %select_n3A_259 = arith.select %broadcast_in_dim3A_257, %concatenate3A_251, %broadcast_in_dim3A_258 : vector<1024x128xi1>, vector<1024x128xf32>
      %add3A_260 = arith.addf %add3A_244, %select_n3A_259 : vector<1024x128xf32>
      %slice3A_261 = vector.extract_strided_slice %get3A_160 {offsets = [896, 0], sizes = [128, 128], strides = [1, 1]} : vector<1152x128xbf16> to vector<128x128xbf16>
      %dot_general3A_262 = arith.constant dense<0.000000e+00> : vector<1024x128xf32>
      %dot_general3A_263 = tpu.matmul %convert_element_type3A_166, %slice3A_261, %dot_general3A_262 {dimension_numbers = #tpu.dot_dimension_numbers<[1], [0], [0], [1], [0, 0, 1, 1], [], []>, transpose_lhs_hint = false} : vector<1024x128xbf16>, vector<128x128xbf16>, vector<1024x128xf32> -> vector<1024x128xf32>
      %broadcast_in_dim3A_264 = arith.constant 0.000000e+00 : f32
      %broadcast_in_dim3A_265 = vector.broadcast %broadcast_in_dim3A_264 : f32 to vector<32x128xf32>
      %slice3A_266 = vector.extract_strided_slice %dot_general3A_263 {offsets = [32, 0], sizes = [992, 128], strides = [1, 1]} : vector<1024x128xf32> to vector<992x128xf32>
      %concatenate3A_267 = tpu.concatenate %slice3A_266, %broadcast_in_dim3A_265 in 0 : vector<992x128xf32>, vector<32x128xf32> -> vector<1024x128xf32>
      %add3A_268 = arith.addf %add3A_260, %concatenate3A_267 : vector<1024x128xf32>
      %slice3A_269 = vector.extract_strided_slice %get3A_160 {offsets = [1024, 0], sizes = [128, 128], strides = [1, 1]} : vector<1152x128xbf16> to vector<128x128xbf16>
      %dot_general3A_270 = arith.constant dense<0.000000e+00> : vector<1024x128xf32>
      %dot_general3A_271 = tpu.matmul %convert_element_type3A_166, %slice3A_269, %dot_general3A_270 {dimension_numbers = #tpu.dot_dimension_numbers<[1], [0], [0], [1], [0, 0, 1, 1], [], []>, transpose_lhs_hint = false} : vector<1024x128xbf16>, vector<128x128xbf16>, vector<1024x128xf32> -> vector<1024x128xf32>
      %broadcast_in_dim3A_272 = arith.constant 0.000000e+00 : f32
      %broadcast_in_dim3A_273 = vector.broadcast %broadcast_in_dim3A_272 : f32 to vector<33x128xf32>
      %slice3A_274 = vector.extract_strided_slice %dot_general3A_271 {offsets = [33, 0], sizes = [991, 128], strides = [1, 1]} : vector<1024x128xf32> to vector<991x128xf32>
      %concatenate3A_275 = tpu.concatenate %slice3A_274, %broadcast_in_dim3A_273 in 0 : vector<991x128xf32>, vector<33x128xf32> -> vector<1024x128xf32>
      %lt3A_276 = arith.constant 31 : i32
      %lt3A_277 = vector.broadcast %lt3A_276 : i32 to vector<1024x1xi32>
      %lt3A_278 = arith.cmpi slt, %select_n3A_23, %lt3A_277 : vector<1024x1xi32>
      %jit3A_279 = arith.constant 0.000000e+00 : f32
      %broadcast_in_dim3A_280 = vector.shape_cast %lt3A_278 : vector<1024x1xi1> to vector<1024x1xi1>
      %broadcast_in_dim3A_281 = vector.broadcast %broadcast_in_dim3A_280 : vector<1024x1xi1> to vector<1024x128xi1>
      %broadcast_in_dim3A_282 = vector.broadcast %jit3A_279 : f32 to vector<1024x128xf32>
      %select_n3A_283 = arith.select %broadcast_in_dim3A_281, %concatenate3A_275, %broadcast_in_dim3A_282 : vector<1024x128xi1>, vector<1024x128xf32>
      %add3A_284 = arith.addf %add3A_268, %select_n3A_283 : vector<1024x128xf32>
      %broadcast_in_dim3A_285 = vector.shape_cast %get3A_165 : vector<128xf32> to vector<1x128xf32>
      %add3A_286 = vector.broadcast %broadcast_in_dim3A_285 : vector<1x128xf32> to vector<1024x128xf32>
      %add3A_287 = arith.addf %add3A_284, %add3A_286 : vector<1024x128xf32>
      %max3A_288 = arith.constant 0.000000e+00 : f32
      %max3A_289 = vector.broadcast %max3A_288 : f32 to vector<1024x128xf32>
      %max3A_290 = arith.maximumf %add3A_287, %max3A_289 : vector<1024x128xf32>
      %reduce_sum3A = arith.constant dense<0.000000e+00> : vector<128xf32>
      %reduce_sum3A_291 = vector.multi_reduction <add>, %max3A_290, %reduce_sum3A [0] : vector<1024x128xf32> to vector<128xf32>
      %div3A = arith.constant 1.024000e+03 : f32
      %div3A_292 = vector.broadcast %div3A : f32 to vector<128xf32>
      %div3A_293 = arith.divf %reduce_sum3A_291, %div3A_292 : vector<128xf32>
      %get3A_294 = arith.constant 0 : index
      %get3A_295 = arith.constant 0 : index
      %get3A_296 = arith.constant 0 : index
      %get3A_297 = vector.load %arg10[%get3A_294, %get3A_295, %get3A_296] : memref<1x128x128xf32, #tpu.memory_space<vmem>>, vector<1x128x128xf32>
      %get3A_298 = vector.shape_cast %get3A_297 : vector<1x128x128xf32> to vector<128x128xf32>
      %dot_general3A_299 = arith.constant dense<0.000000e+00> : vector<128xf32>
      %dot_general3A_300 = tpu.matmul %div3A_293, %get3A_298, %dot_general3A_299 {dimension_numbers = #tpu.dot_dimension_numbers<[0], [0], [], [1], [1, 1], [], []>, transpose_lhs_hint = false} : vector<128xf32>, vector<128x128xf32>, vector<128xf32> -> vector<128xf32>
      %get3A_301 = arith.constant 0 : index
      %get3A_302 = arith.constant 0 : index
      %get3A_303 = arith.constant 0 : index
      %get3A_304 = vector.load %arg11[%get3A_301, %get3A_302, %get3A_303] : memref<1x8x128xf32, #tpu.memory_space<vmem>>, vector<1x1x128xf32>
      %get3A_305 = vector.shape_cast %get3A_304 : vector<1x1x128xf32> to vector<128xf32>
      %add3A_306 = arith.addf %dot_general3A_300, %get3A_305 : vector<128xf32>
      %broadcast_in_dim3A_307 = vector.shape_cast %add3A_306 : vector<128xf32> to vector<1x128xf32>
      %broadcast_in_dim3A_308 = vector.shape_cast %broadcast_in_dim3A_307 : vector<1x128xf32> to vector<1x128xf32>
      %broadcast_in_dim3A_309 = vector.broadcast %broadcast_in_dim3A_308 : vector<1x128xf32> to vector<8x128xf32>
      %swap3A = arith.constant 0 : index
      %swap3A_310 = arith.constant 0 : index
      %swap3A_311 = arith.constant 0 : index
      %swap3A_312 = arith.constant 0 : index
      %swap3A_313 = vector.load %arg13[%swap3A, %swap3A_310, %swap3A_311, %swap3A_312] : memref<1x1x8x128xf32, #tpu.memory_space<vmem>>, vector<1x1x8x128xf32>
      %swap3A_314 = vector.shape_cast %swap3A_313 : vector<1x1x8x128xf32> to vector<8x128xf32>
      %swap3A_315 = vector.shape_cast %broadcast_in_dim3A_309 : vector<8x128xf32> to vector<1x1x8x128xf32>
      tpu.vector_store %arg13[%swap3A, %swap3A_310, %swap3A_311, %swap3A_312], %swap3A_315 {strides = array<i32>} : memref<1x1x8x128xf32, #tpu.memory_space<vmem>>, vector<1x1x8x128xf32>,
      %get3A_316 = arith.constant 0 : index
      %get3A_317 = arith.constant 0 : index
      %get3A_318 = arith.constant 0 : index
      %get3A_319 = vector.load %arg8[%get3A_316, %get3A_317, %get3A_318] : memref<1x1152x8xbf16, #tpu.memory_space<vmem>>, vector<1x1152x8xbf16>
      %get3A_320 = vector.shape_cast %get3A_319 : vector<1x1152x8xbf16> to vector<1152x8xbf16>
      %get3A_321 = arith.constant 0 : index
      %get3A_322 = arith.constant 0 : index
      %get3A_323 = arith.constant 0 : index
      %get3A_324 = vector.load %arg9[%get3A_321, %get3A_322, %get3A_323] : memref<1x8x128xf32, #tpu.memory_space<vmem>>, vector<1x1x8xf32>
      %get3A_325 = vector.shape_cast %get3A_324 : vector<1x1x8xf32> to vector<8xf32>
      %convert_element_type3A_326 = arith.truncf %slice3A_155 : vector<1024x128xf32> to vector<1024x128xbf16>
      %broadcast_in_dim3A_327 = arith.constant 0.000000e+00 : f32
      %broadcast_in_dim3A_328 = vector.broadcast %broadcast_in_dim3A_327 : f32 to vector<1024x8xf32>
      %slice3A_329 = vector.extract_strided_slice %get3A_320 {offsets = [0, 0], sizes = [128, 8], strides = [1, 1]} : vector<1152x8xbf16> to vector<128x8xbf16>
      %dot_general3A_330 = arith.constant dense<0.000000e+00> : vector<1024x8xf32>
      %dot_general3A_331 = tpu.matmul %convert_element_type3A_326, %slice3A_329, %dot_general3A_330 {dimension_numbers = #tpu.dot_dimension_numbers<[1], [0], [0], [1], [0, 0, 1, 1], [], []>, transpose_lhs_hint = false} : vector<1024x128xbf16>, vector<128x8xbf16>, vector<1024x8xf32> -> vector<1024x8xf32>
      %broadcast_in_dim3A_332 = arith.constant 0.000000e+00 : f32
      %broadcast_in_dim3A_333 = vector.broadcast %broadcast_in_dim3A_332 : f32 to vector<33x8xf32>
      %slice3A_334 = vector.extract_strided_slice %dot_general3A_331 {offsets = [0, 0], sizes = [991, 8], strides = [1, 1]} : vector<1024x8xf32> to vector<991x8xf32>
      %concatenate3A_335 = tpu.concatenate %broadcast_in_dim3A_333, %slice3A_334 in 0 : vector<33x8xf32>, vector<991x8xf32> -> vector<1024x8xf32>
      %gt3A_336 = arith.constant 0 : i32
      %gt3A_337 = vector.broadcast %gt3A_336 : i32 to vector<1024x1xi32>
      %gt3A_338 = arith.cmpi sgt, %select_n3A_23, %gt3A_337 : vector<1024x1xi32>
      %jit3A_339 = arith.constant 0.000000e+00 : f32
      %broadcast_in_dim3A_340 = vector.shape_cast %gt3A_338 : vector<1024x1xi1> to vector<1024x1xi1>
      %broadcast_in_dim3A_341 = vector.broadcast %broadcast_in_dim3A_340 : vector<1024x1xi1> to vector<1024x8xi1>
      %broadcast_in_dim3A_342 = vector.broadcast %jit3A_339 : f32 to vector<1024x8xf32>
      %select_n3A_343 = arith.select %broadcast_in_dim3A_341, %concatenate3A_335, %broadcast_in_dim3A_342 : vector<1024x8xi1>, vector<1024x8xf32>
      %add3A_344 = arith.addf %broadcast_in_dim3A_328, %select_n3A_343 : vector<1024x8xf32>
      %slice3A_345 = vector.extract_strided_slice %get3A_320 {offsets = [128, 0], sizes = [128, 8], strides = [1, 1]} : vector<1152x8xbf16> to vector<128x8xbf16>
      %dot_general3A_346 = arith.constant dense<0.000000e+00> : vector<1024x8xf32>
      %dot_general3A_347 = tpu.matmul %convert_element_type3A_326, %slice3A_345, %dot_general3A_346 {dimension_numbers = #tpu.dot_dimension_numbers<[1], [0], [0], [1], [0, 0, 1, 1], [], []>, transpose_lhs_hint = false} : vector<1024x128xbf16>, vector<128x8xbf16>, vector<1024x8xf32> -> vector<1024x8xf32>
      %broadcast_in_dim3A_348 = arith.constant 0.000000e+00 : f32
      %broadcast_in_dim3A_349 = vector.broadcast %broadcast_in_dim3A_348 : f32 to vector<32x8xf32>
      %slice3A_350 = vector.extract_strided_slice %dot_general3A_347 {offsets = [0, 0], sizes = [992, 8], strides = [1, 1]} : vector<1024x8xf32> to vector<992x8xf32>
      %concatenate3A_351 = tpu.concatenate %broadcast_in_dim3A_349, %slice3A_350 in 0 : vector<32x8xf32>, vector<992x8xf32> -> vector<1024x8xf32>
      %add3A_352 = arith.addf %add3A_344, %concatenate3A_351 : vector<1024x8xf32>
      %slice3A_353 = vector.extract_strided_slice %get3A_320 {offsets = [256, 0], sizes = [128, 8], strides = [1, 1]} : vector<1152x8xbf16> to vector<128x8xbf16>
      %dot_general3A_354 = arith.constant dense<0.000000e+00> : vector<1024x8xf32>
      %dot_general3A_355 = tpu.matmul %convert_element_type3A_326, %slice3A_353, %dot_general3A_354 {dimension_numbers = #tpu.dot_dimension_numbers<[1], [0], [0], [1], [0, 0, 1, 1], [], []>, transpose_lhs_hint = false} : vector<1024x128xbf16>, vector<128x8xbf16>, vector<1024x8xf32> -> vector<1024x8xf32>
      %broadcast_in_dim3A_356 = arith.constant 0.000000e+00 : f32
      %broadcast_in_dim3A_357 = vector.broadcast %broadcast_in_dim3A_356 : f32 to vector<31x8xf32>
      %slice3A_358 = vector.extract_strided_slice %dot_general3A_355 {offsets = [0, 0], sizes = [993, 8], strides = [1, 1]} : vector<1024x8xf32> to vector<993x8xf32>
      %concatenate3A_359 = tpu.concatenate %broadcast_in_dim3A_357, %slice3A_358 in 0 : vector<31x8xf32>, vector<993x8xf32> -> vector<1024x8xf32>
      %lt3A_360 = arith.constant 31 : i32
      %lt3A_361 = vector.broadcast %lt3A_360 : i32 to vector<1024x1xi32>
      %lt3A_362 = arith.cmpi slt, %select_n3A_23, %lt3A_361 : vector<1024x1xi32>
      %jit3A_363 = arith.constant 0.000000e+00 : f32
      %broadcast_in_dim3A_364 = vector.shape_cast %lt3A_362 : vector<1024x1xi1> to vector<1024x1xi1>
      %broadcast_in_dim3A_365 = vector.broadcast %broadcast_in_dim3A_364 : vector<1024x1xi1> to vector<1024x8xi1>
      %broadcast_in_dim3A_366 = vector.broadcast %jit3A_363 : f32 to vector<1024x8xf32>
      %select_n3A_367 = arith.select %broadcast_in_dim3A_365, %concatenate3A_359, %broadcast_in_dim3A_366 : vector<1024x8xi1>, vector<1024x8xf32>
      %add3A_368 = arith.addf %add3A_352, %select_n3A_367 : vector<1024x8xf32>
      %slice3A_369 = vector.extract_strided_slice %get3A_320 {offsets = [384, 0], sizes = [128, 8], strides = [1, 1]} : vector<1152x8xbf16> to vector<128x8xbf16>
      %dot_general3A_370 = arith.constant dense<0.000000e+00> : vector<1024x8xf32>
      %dot_general3A_371 = tpu.matmul %convert_element_type3A_326, %slice3A_369, %dot_general3A_370 {dimension_numbers = #tpu.dot_dimension_numbers<[1], [0], [0], [1], [0, 0, 1, 1], [], []>, transpose_lhs_hint = false} : vector<1024x128xbf16>, vector<128x8xbf16>, vector<1024x8xf32> -> vector<1024x8xf32>
      %broadcast_in_dim3A_372 = arith.constant 0.000000e+00 : f32
      %broadcast_in_dim3A_373 = vector.broadcast %broadcast_in_dim3A_372 : f32 to vector<1x8xf32>
      %slice3A_374 = vector.extract_strided_slice %dot_general3A_371 {offsets = [0, 0], sizes = [1023, 8], strides = [1, 1]} : vector<1024x8xf32> to vector<1023x8xf32>
      %concatenate3A_375 = tpu.concatenate %broadcast_in_dim3A_373, %slice3A_374 in 0 : vector<1x8xf32>, vector<1023x8xf32> -> vector<1024x8xf32>
      %gt3A_376 = arith.constant 0 : i32
      %gt3A_377 = vector.broadcast %gt3A_376 : i32 to vector<1024x1xi32>
      %gt3A_378 = arith.cmpi sgt, %select_n3A_23, %gt3A_377 : vector<1024x1xi32>
      %jit3A_379 = arith.constant 0.000000e+00 : f32
      %broadcast_in_dim3A_380 = vector.shape_cast %gt3A_378 : vector<1024x1xi1> to vector<1024x1xi1>
      %broadcast_in_dim3A_381 = vector.broadcast %broadcast_in_dim3A_380 : vector<1024x1xi1> to vector<1024x8xi1>
      %broadcast_in_dim3A_382 = vector.broadcast %jit3A_379 : f32 to vector<1024x8xf32>
      %select_n3A_383 = arith.select %broadcast_in_dim3A_381, %concatenate3A_375, %broadcast_in_dim3A_382 : vector<1024x8xi1>, vector<1024x8xf32>
      %add3A_384 = arith.addf %add3A_368, %select_n3A_383 : vector<1024x8xf32>
      %slice3A_385 = vector.extract_strided_slice %get3A_320 {offsets = [512, 0], sizes = [128, 8], strides = [1, 1]} : vector<1152x8xbf16> to vector<128x8xbf16>
      %dot_general3A_386 = arith.constant dense<0.000000e+00> : vector<1024x8xf32>
      %dot_general3A_387 = tpu.matmul %convert_element_type3A_326, %slice3A_385, %dot_general3A_386 {dimension_numbers = #tpu.dot_dimension_numbers<[1], [0], [0], [1], [0, 0, 1, 1], [], []>, transpose_lhs_hint = false} : vector<1024x128xbf16>, vector<128x8xbf16>, vector<1024x8xf32> -> vector<1024x8xf32>
      %add3A_388 = arith.addf %add3A_384, %dot_general3A_387 : vector<1024x8xf32>
      %slice3A_389 = vector.extract_strided_slice %get3A_320 {offsets = [640, 0], sizes = [128, 8], strides = [1, 1]} : vector<1152x8xbf16> to vector<128x8xbf16>
      %dot_general3A_390 = arith.constant dense<0.000000e+00> : vector<1024x8xf32>
      %dot_general3A_391 = tpu.matmul %convert_element_type3A_326, %slice3A_389, %dot_general3A_390 {dimension_numbers = #tpu.dot_dimension_numbers<[1], [0], [0], [1], [0, 0, 1, 1], [], []>, transpose_lhs_hint = false} : vector<1024x128xbf16>, vector<128x8xbf16>, vector<1024x8xf32> -> vector<1024x8xf32>
      %broadcast_in_dim3A_392 = arith.constant 0.000000e+00 : f32
      %broadcast_in_dim3A_393 = vector.broadcast %broadcast_in_dim3A_392 : f32 to vector<1x8xf32>
      %slice3A_394 = vector.extract_strided_slice %dot_general3A_391 {offsets = [1, 0], sizes = [1023, 8], strides = [1, 1]} : vector<1024x8xf32> to vector<1023x8xf32>
      %concatenate3A_395 = tpu.concatenate %slice3A_394, %broadcast_in_dim3A_393 in 0 : vector<1023x8xf32>, vector<1x8xf32> -> vector<1024x8xf32>
      %lt3A_396 = arith.constant 31 : i32
      %lt3A_397 = vector.broadcast %lt3A_396 : i32 to vector<1024x1xi32>
      %lt3A_398 = arith.cmpi slt, %select_n3A_23, %lt3A_397 : vector<1024x1xi32>
      %jit3A_399 = arith.constant 0.000000e+00 : f32
      %broadcast_in_dim3A_400 = vector.shape_cast %lt3A_398 : vector<1024x1xi1> to vector<1024x1xi1>
      %broadcast_in_dim3A_401 = vector.broadcast %broadcast_in_dim3A_400 : vector<1024x1xi1> to vector<1024x8xi1>
      %broadcast_in_dim3A_402 = vector.broadcast %jit3A_399 : f32 to vector<1024x8xf32>
      %select_n3A_403 = arith.select %broadcast_in_dim3A_401, %concatenate3A_395, %broadcast_in_dim3A_402 : vector<1024x8xi1>, vector<1024x8xf32>
      %add3A_404 = arith.addf %add3A_388, %select_n3A_403 : vector<1024x8xf32>
      %slice3A_405 = vector.extract_strided_slice %get3A_320 {offsets = [768, 0], sizes = [128, 8], strides = [1, 1]} : vector<1152x8xbf16> to vector<128x8xbf16>
      %dot_general3A_406 = arith.constant dense<0.000000e+00> : vector<1024x8xf32>
      %dot_general3A_407 = tpu.matmul %convert_element_type3A_326, %slice3A_405, %dot_general3A_406 {dimension_numbers = #tpu.dot_dimension_numbers<[1], [0], [0], [1], [0, 0, 1, 1], [], []>, transpose_lhs_hint = false} : vector<1024x128xbf16>, vector<128x8xbf16>, vector<1024x8xf32> -> vector<1024x8xf32>
      %broadcast_in_dim3A_408 = arith.constant 0.000000e+00 : f32
      %broadcast_in_dim3A_409 = vector.broadcast %broadcast_in_dim3A_408 : f32 to vector<31x8xf32>
      %slice3A_410 = vector.extract_strided_slice %dot_general3A_407 {offsets = [31, 0], sizes = [993, 8], strides = [1, 1]} : vector<1024x8xf32> to vector<993x8xf32>
      %concatenate3A_411 = tpu.concatenate %slice3A_410, %broadcast_in_dim3A_409 in 0 : vector<993x8xf32>, vector<31x8xf32> -> vector<1024x8xf32>
      %gt3A_412 = arith.constant 0 : i32
      %gt3A_413 = vector.broadcast %gt3A_412 : i32 to vector<1024x1xi32>
      %gt3A_414 = arith.cmpi sgt, %select_n3A_23, %gt3A_413 : vector<1024x1xi32>
      %jit3A_415 = arith.constant 0.000000e+00 : f32
      %broadcast_in_dim3A_416 = vector.shape_cast %gt3A_414 : vector<1024x1xi1> to vector<1024x1xi1>
      %broadcast_in_dim3A_417 = vector.broadcast %broadcast_in_dim3A_416 : vector<1024x1xi1> to vector<1024x8xi1>
      %broadcast_in_dim3A_418 = vector.broadcast %jit3A_415 : f32 to vector<1024x8xf32>
      %select_n3A_419 = arith.select %broadcast_in_dim3A_417, %concatenate3A_411, %broadcast_in_dim3A_418 : vector<1024x8xi1>, vector<1024x8xf32>
      %add3A_420 = arith.addf %add3A_404, %select_n3A_419 : vector<1024x8xf32>
      %slice3A_421 = vector.extract_strided_slice %get3A_320 {offsets = [896, 0], sizes = [128, 8], strides = [1, 1]} : vector<1152x8xbf16> to vector<128x8xbf16>
      %dot_general3A_422 = arith.constant dense<0.000000e+00> : vector<1024x8xf32>
      %dot_general3A_423 = tpu.matmul %convert_element_type3A_326, %slice3A_421, %dot_general3A_422 {dimension_numbers = #tpu.dot_dimension_numbers<[1], [0], [0], [1], [0, 0, 1, 1], [], []>, transpose_lhs_hint = false} : vector<1024x128xbf16>, vector<128x8xbf16>, vector<1024x8xf32> -> vector<1024x8xf32>
      %broadcast_in_dim3A_424 = arith.constant 0.000000e+00 : f32
      %broadcast_in_dim3A_425 = vector.broadcast %broadcast_in_dim3A_424 : f32 to vector<32x8xf32>
      %slice3A_426 = vector.extract_strided_slice %dot_general3A_423 {offsets = [32, 0], sizes = [992, 8], strides = [1, 1]} : vector<1024x8xf32> to vector<992x8xf32>
      %concatenate3A_427 = tpu.concatenate %slice3A_426, %broadcast_in_dim3A_425 in 0 : vector<992x8xf32>, vector<32x8xf32> -> vector<1024x8xf32>
      %add3A_428 = arith.addf %add3A_420, %concatenate3A_427 : vector<1024x8xf32>
      %slice3A_429 = vector.extract_strided_slice %get3A_320 {offsets = [1024, 0], sizes = [128, 8], strides = [1, 1]} : vector<1152x8xbf16> to vector<128x8xbf16>
      %dot_general3A_430 = arith.constant dense<0.000000e+00> : vector<1024x8xf32>
      %dot_general3A_431 = tpu.matmul %convert_element_type3A_326, %slice3A_429, %dot_general3A_430 {dimension_numbers = #tpu.dot_dimension_numbers<[1], [0], [0], [1], [0, 0, 1, 1], [], []>, transpose_lhs_hint = false} : vector<1024x128xbf16>, vector<128x8xbf16>, vector<1024x8xf32> -> vector<1024x8xf32>
      %broadcast_in_dim3A_432 = arith.constant 0.000000e+00 : f32
      %broadcast_in_dim3A_433 = vector.broadcast %broadcast_in_dim3A_432 : f32 to vector<33x8xf32>
      %slice3A_434 = vector.extract_strided_slice %dot_general3A_431 {offsets = [33, 0], sizes = [991, 8], strides = [1, 1]} : vector<1024x8xf32> to vector<991x8xf32>
      %concatenate3A_435 = tpu.concatenate %slice3A_434, %broadcast_in_dim3A_433 in 0 : vector<991x8xf32>, vector<33x8xf32> -> vector<1024x8xf32>
      %lt3A_436 = arith.constant 31 : i32
      %lt3A_437 = vector.broadcast %lt3A_436 : i32 to vector<1024x1xi32>
      %lt3A_438 = arith.cmpi slt, %select_n3A_23, %lt3A_437 : vector<1024x1xi32>
      %jit3A_439 = arith.constant 0.000000e+00 : f32
      %broadcast_in_dim3A_440 = vector.shape_cast %lt3A_438 : vector<1024x1xi1> to vector<1024x1xi1>
      %broadcast_in_dim3A_441 = vector.broadcast %broadcast_in_dim3A_440 : vector<1024x1xi1> to vector<1024x8xi1>
      %broadcast_in_dim3A_442 = vector.broadcast %jit3A_439 : f32 to vector<1024x8xf32>
      %select_n3A_443 = arith.select %broadcast_in_dim3A_441, %concatenate3A_435, %broadcast_in_dim3A_442 : vector<1024x8xi1>, vector<1024x8xf32>
      %add3A_444 = arith.addf %add3A_428, %select_n3A_443 : vector<1024x8xf32>
      %broadcast_in_dim3A_445 = vector.shape_cast %get3A_325 : vector<8xf32> to vector<1x8xf32>
      %add3A_446 = vector.broadcast %broadcast_in_dim3A_445 : vector<1x8xf32> to vector<1024x8xf32>
      %add3A_447 = arith.addf %add3A_444, %add3A_446 : vector<1024x8xf32>
      %slice3A_448 = vector.extract_strided_slice %add3A_447 {offsets = [0, 0], sizes = [1024, 1], strides = [1, 1]} : vector<1024x8xf32> to vector<1024x1xf32>
      %squeeze3A = vector.shape_cast %slice3A_448 : vector<1024x1xf32> to vector<1024xf32>
      %reshape3A = vector.shape_cast %squeeze3A : vector<1024xf32> to vector<32x32xf32>
      %swap3A_449 = arith.constant 0 : index
      %swap3A_450 = arith.constant 0 : index
      %swap3A_451 = arith.constant 0 : index
      %swap3A_452 = arith.constant 0 : index
      %swap3A_453 = vector.load %arg12[%swap3A_449, %swap3A_450, %swap3A_451, %swap3A_452] : memref<1x1x32x32xf32, #tpu.memory_space<vmem>>, vector<1x1x32x32xf32>
      %swap3A_454 = vector.shape_cast %swap3A_453 : vector<1x1x32x32xf32> to vector<32x32xf32>
      %swap3A_455 = vector.shape_cast %reshape3A : vector<32x32xf32> to vector<1x1x32x32xf32>
      tpu.vector_store %arg12[%swap3A_449, %swap3A_450, %swap3A_451, %swap3A_452], %swap3A_455 {strides = array<i32>} : memref<1x1x32x32xf32, #tpu.memory_space<vmem>>, vector<1x1x32x32xf32>,
    } else {
    }
    return
  }
  func.func @transform_0(%arg0: i32, %arg1: i32, %arg2: memref<26xi32, #tpu.memory_space<smem>>) -> (i32, i32, i32) {
    %c0_i32 = arith.constant 0 : i32
    %c0_i32_0 = arith.constant 0 : i32
    %c0_i32_1 = arith.constant 0 : i32
    return %arg1, %c0_i32, %c0_i32_0 : i32, i32, i32
  }
  func.func @transform_1(%arg0: i32, %arg1: i32, %arg2: memref<26xi32, #tpu.memory_space<smem>>) -> (i32, i32, i32) {
    %c0_i32 = arith.constant 0 : i32
    %c0_i32_0 = arith.constant 0 : i32
    %c0_i32_1 = arith.constant 0 : i32
    return %arg0, %c0_i32, %c0_i32_0 : i32, i32, i32
  }
  func.func @transform_2(%arg0: i32, %arg1: i32, %arg2: memref<26xi32, #tpu.memory_space<smem>>) -> (i32, i32, i32) {
    %c0_i32 = arith.constant 0 : i32
    %c0_i32_0 = arith.constant 0 : i32
    %c0_i32_1 = arith.constant 0 : i32
    return %arg0, %c0_i32, %c0_i32_0 : i32, i32, i32
  }
  func.func @transform_3(%arg0: i32, %arg1: i32, %arg2: memref<26xi32, #tpu.memory_space<smem>>) -> (i32, i32, i32) {
    %c0_i32 = arith.constant 0 : i32
    %c0_i32_0 = arith.constant 0 : i32
    %c0_i32_1 = arith.constant 0 : i32
    return %arg0, %c0_i32, %c0_i32_0 : i32, i32, i32
  }
  func.func @transform_4(%arg0: i32, %arg1: i32, %arg2: memref<26xi32, #tpu.memory_space<smem>>) -> (i32, i32, i32) {
    %c0_i32 = arith.constant 0 : i32
    %c0_i32_0 = arith.constant 0 : i32
    %c0_i32_1 = arith.constant 0 : i32
    return %arg0, %c0_i32, %c0_i32_0 : i32, i32, i32
  }
  func.func @transform_5(%arg0: i32, %arg1: i32, %arg2: memref<26xi32, #tpu.memory_space<smem>>) -> (i32, i32, i32) {
    %c0_i32 = arith.constant 0 : i32
    %c0_i32_0 = arith.constant 0 : i32
    %c0_i32_1 = arith.constant 0 : i32
    return %arg0, %c0_i32, %c0_i32_0 : i32, i32, i32
  }
  func.func @transform_6(%arg0: i32, %arg1: i32, %arg2: memref<26xi32, #tpu.memory_space<smem>>) -> (i32, i32, i32) {
    %c0_i32 = arith.constant 0 : i32
    %c0_i32_0 = arith.constant 0 : i32
    %c0_i32_1 = arith.constant 0 : i32
    return %arg0, %c0_i32, %c0_i32_0 : i32, i32, i32
  }
  func.func @transform_7(%arg0: i32, %arg1: i32, %arg2: memref<26xi32, #tpu.memory_space<smem>>) -> (i32, i32, i32) {
    %c0_i32 = arith.constant 0 : i32
    %c0_i32_0 = arith.constant 0 : i32
    %c0_i32_1 = arith.constant 0 : i32
    return %arg0, %c0_i32, %c0_i32_0 : i32, i32, i32
  }
  func.func @transform_8(%arg0: i32, %arg1: i32, %arg2: memref<26xi32, #tpu.memory_space<smem>>) -> (i32, i32, i32) {
    %c0_i32 = arith.constant 0 : i32
    %c0_i32_0 = arith.constant 0 : i32
    %c0_i32_1 = arith.constant 0 : i32
    return %arg0, %c0_i32, %c0_i32_0 : i32, i32, i32
  }
  func.func @transform_9(%arg0: i32, %arg1: i32, %arg2: memref<26xi32, #tpu.memory_space<smem>>) -> (i32, i32, i32, i32) {
    %c0_i32 = arith.constant 0 : i32
    %c0_i32_0 = arith.constant 0 : i32
    %c0_i32_1 = arith.constant 0 : i32
    return %arg0, %arg1, %c0_i32, %c0_i32_0 : i32, i32, i32, i32
  }
  func.func @transform_10(%arg0: i32, %arg1: i32, %arg2: memref<26xi32, #tpu.memory_space<smem>>) -> (i32, i32, i32, i32) {
    %c0_i32 = arith.constant 0 : i32
    %c0_i32_0 = arith.constant 0 : i32
    %c0_i32_1 = arith.constant 0 : i32
    return %arg0, %arg1, %c0_i32, %c0_i32_0 : i32, i32, i32, i32
  }
}

module attributes {stable_mosaic.version = 14 : i64} {
  func.func @_stage3_body(%arg0: i32, %arg1: memref<1x32x32xf32, #tpu.memory_space<vmem>>, %arg2: memref<32x128xf32, #tpu.memory_space<vmem>>, %arg3: memref<128x32xf32, #tpu.memory_space<vmem>>, %arg4: memref<32x128xf32, #tpu.memory_space<vmem>>, %arg5: memref<1x128x128xf32, #tpu.memory_space<vmem>>, %arg6: memref<1x128x128xf32, #tpu.memory_space<vmem>>) attributes {dimension_semantics = [#tpu.dimension_semantics<arbitrary>], iteration_bounds = array<i64: 32>, scalar_prefetch = 0 : i64, scratch_operands = 0 : i64, tpu.core_type = #tpu.core_type<tc>, window_params = [{transform_indices = @transform_0, window_bounds = array<i64: 1, 32, 32>}, {pipeline_mode = #tpu.pipeline_mode<synchronous>, transform_indices = @transform_1, window_bounds = array<i64: 32, 128>}, {pipeline_mode = #tpu.pipeline_mode<synchronous>, transform_indices = @transform_2, window_bounds = array<i64: 128, 32>}, {pipeline_mode = #tpu.pipeline_mode<synchronous>, transform_indices = @transform_3, window_bounds = array<i64: 32, 128>}, {transform_indices = @transform_4, window_bounds = array<i64: 1, 128, 128>}, {transform_indices = @transform_5, window_bounds = array<i64: 1, 128, 128>}]} {
    %get3A = arith.constant 0 : index
    %get3A_0 = arith.constant 0 : index
    %get3A_1 = arith.constant 0 : index
    %get3A_2 = vector.load %arg1[%get3A, %get3A_0, %get3A_1] : memref<1x32x32xf32, #tpu.memory_space<vmem>>, vector<1x32x32xf32>
    %get3A_3 = vector.shape_cast %get3A_2 : vector<1x32x32xf32> to vector<32x32xf32>
    %get3A_4 = arith.constant 0 : index
    %get3A_5 = arith.constant 0 : index
    %get3A_6 = vector.load %arg3[%get3A_4, %get3A_5] : memref<128x32xf32, #tpu.memory_space<vmem>>, vector<128x32xf32>
    %dot_general3A = arith.constant dense<0.000000e+00> : vector<128x32xf32>
    %dot_general3A_7 = tpu.matmul %get3A_6, %get3A_3, %dot_general3A {dimension_numbers = #tpu.dot_dimension_numbers<[1], [0], [0], [1], [0, 0, 1, 1], [], []>, transpose_lhs_hint = false} : vector<128x32xf32>, vector<32x32xf32>, vector<128x32xf32> -> vector<128x32xf32>
    %get3A_8 = arith.constant 0 : index
    %get3A_9 = arith.constant 0 : index
    %get3A_10 = vector.load %arg4[%get3A_8, %get3A_9] : memref<32x128xf32, #tpu.memory_space<vmem>>, vector<32x128xf32>
    %dot_general3A_11 = arith.constant dense<0.000000e+00> : vector<128x128xf32>
    %dot_general3A_12 = tpu.matmul %dot_general3A_7, %get3A_10, %dot_general3A_11 {dimension_numbers = #tpu.dot_dimension_numbers<[1], [0], [0], [1], [0, 0, 1, 1], [], []>, transpose_lhs_hint = false} : vector<128x32xf32>, vector<32x128xf32>, vector<128x128xf32> -> vector<128x128xf32>
    %get3A_13 = arith.index_cast %arg0 : i32 to index
    %get3A_14 = arith.constant 0 : index
    %get3A_15 = vector.load %arg2[%get3A_13, %get3A_14] : memref<32x128xf32, #tpu.memory_space<vmem>>, vector<1x1xf32>
    %get3A_16 = vector.extract %get3A_15[0, 0] : f32 from vector<1x1xf32>
    %get3A_17 = arith.index_cast %arg0 : i32 to index
    %get3A_18 = arith.constant 16 : index
    %get3A_19 = vector.load %arg2[%get3A_17, %get3A_18] : memref<32x128xf32, #tpu.memory_space<vmem>>, vector<1x1xf32>
    %get3A_20 = vector.extract %get3A_19[0, 0] : f32 from vector<1x1xf32>
    %swap3A = arith.constant 0 : index
    %swap3A_21 = arith.constant 0 : index
    %swap3A_22 = arith.constant 0 : index
    %swap3A_23 = vector.load %arg5[%swap3A, %swap3A_21, %swap3A_22] : memref<1x128x128xf32, #tpu.memory_space<vmem>>, vector<1x128x128xf32>
    %swap3A_24 = vector.shape_cast %swap3A_23 : vector<1x128x128xf32> to vector<128x128xf32>
    %swap3A_25 = vector.shape_cast %dot_general3A_12 : vector<128x128xf32> to vector<1x128x128xf32>
    tpu.vector_store %arg5[%swap3A, %swap3A_21, %swap3A_22], %swap3A_25 {strides = array<i32>} : memref<1x128x128xf32, #tpu.memory_space<vmem>>, vector<1x128x128xf32>,
    %mul3A = vector.broadcast %get3A_16 : f32 to vector<128x128xf32>
    %mul3A_26 = arith.mulf %dot_general3A_12, %mul3A : vector<128x128xf32>
    %add3A = vector.broadcast %get3A_20 : f32 to vector<128x128xf32>
    %add3A_27 = arith.addf %mul3A_26, %add3A : vector<128x128xf32>
    %max3A = arith.constant 1.000000e-03 : f32
    %max3A_28 = vector.broadcast %max3A : f32 to vector<128x128xf32>
    %max3A_29 = arith.maximumf %add3A_27, %max3A_28 : vector<128x128xf32>
    %swap3A_30 = arith.constant 0 : index
    %swap3A_31 = arith.constant 0 : index
    %swap3A_32 = arith.constant 0 : index
    %swap3A_33 = vector.load %arg6[%swap3A_30, %swap3A_31, %swap3A_32] : memref<1x128x128xf32, #tpu.memory_space<vmem>>, vector<1x128x128xf32>
    %swap3A_34 = vector.shape_cast %swap3A_33 : vector<1x128x128xf32> to vector<128x128xf32>
    %swap3A_35 = vector.shape_cast %max3A_29 : vector<128x128xf32> to vector<1x128x128xf32>
    tpu.vector_store %arg6[%swap3A_30, %swap3A_31, %swap3A_32], %swap3A_35 {strides = array<i32>} : memref<1x128x128xf32, #tpu.memory_space<vmem>>, vector<1x128x128xf32>,
    return
  }
  func.func @transform_0(%arg0: i32) -> (i32, i32, i32) {
    %c0_i32 = arith.constant 0 : i32
    %c0_i32_0 = arith.constant 0 : i32
    %c0_i32_1 = arith.constant 0 : i32
    return %arg0, %c0_i32, %c0_i32_0 : i32, i32, i32
  }
  func.func @transform_1(%arg0: i32) -> (i32, i32) {
    %c0_i32 = arith.constant 0 : i32
    %c0_i32_0 = arith.constant 0 : i32
    %c0_i32_1 = arith.constant 0 : i32
    return %c0_i32, %c0_i32_0 : i32, i32
  }
  func.func @transform_2(%arg0: i32) -> (i32, i32) {
    %c0_i32 = arith.constant 0 : i32
    %c0_i32_0 = arith.constant 0 : i32
    %c0_i32_1 = arith.constant 0 : i32
    return %c0_i32, %c0_i32_0 : i32, i32
  }
  func.func @transform_3(%arg0: i32) -> (i32, i32) {
    %c0_i32 = arith.constant 0 : i32
    %c0_i32_0 = arith.constant 0 : i32
    %c0_i32_1 = arith.constant 0 : i32
    return %c0_i32, %c0_i32_0 : i32, i32
  }
  func.func @transform_4(%arg0: i32) -> (i32, i32, i32) {
    %c0_i32 = arith.constant 0 : i32
    %c0_i32_0 = arith.constant 0 : i32
    %c0_i32_1 = arith.constant 0 : i32
    return %arg0, %c0_i32, %c0_i32_0 : i32, i32, i32
  }
  func.func @transform_5(%arg0: i32) -> (i32, i32, i32) {
    %c0_i32 = arith.constant 0 : i32
    %c0_i32_0 = arith.constant 0 : i32
    %c0_i32_1 = arith.constant 0 : i32
    return %arg0, %c0_i32, %c0_i32_0 : i32, i32, i32
  }
}

</mosaic_0001>

<sc_bundles>
// kernel: kernel.5.cloned.1.call-start
scs
__scs_entry_jumppad:
0x0: {  	(pc) =	sbr.rel $0x88, $3  }
0x1: {  	(tag) =	ssettag $0x0;
	lr =	simm.s32 $0x1  }
0x2: {  	[smem:$0x3F95] =	sst lr;
	_ =	strace $0xD0000000  }
0x3: {  	_ = 	snop  }
0x4: {  	_ = 	snop  }
0x5: {  	_ = 	snop  }
0x6: {  	_ = 	snop  }
0x7: {  	_ = 	snop  }
__scs_overlays_trampoline_lowered:
0x8: {  	[smem:$0x3FA4] =	sst s0  }
0x9: {  	[smem:$0x3FA5] =	sst s1  }
0xa: {  	[smem:$0x3FA6] =	sst s2  }
0xb: {  	[smem:$0x3FA7] =	sst s3  }
0xc: {  	[smem:$0x3FA8] =	sst s4  }
0xd: {  	[smem:$0x3FA9] =	sst s5  }
0xe: {  	[smem:$0x3FAA] =	sst s6  }
0xf: {  	[smem:$0x3FAB] =	sst s7  }
0x10: {  	[smem:$0x3FAC] =	sst s8  }
0x11: {  	[smem:$0x3FAD] =	sst s9;
	s0 =	simm.s32 @!p0 $0x0  }
0x12: {  	s1 =	sld [smem:$0x3F93];
	s0 =	simm.s32 @p0 $0x1  }
0x13: {  	[smem:$0x3FAE] =	sst s0;
	s0 =	simm.s32 @!p1 $0x0  }
0x14: {  	s2 =	sld [smem:$0x3F92];
	s0 =	simm.s32 @p1 $0x1  }
0x15: {  	[smem:$0x3FAF] =	sst s0;
	s0 =	simm.s32 @!p2 $0x0  }
0x16: {  	s3 =	sld [smem:$0x3FDB];
	s0 =	simm.s32 @p2 $0x1  }
0x17: {  	s4 =	simm.s32 $0x1BF5;
	[smem:$0x3FB1] =	sst s0  }
0x18: {  	s0 =	sld [smem:$0x3F94];
	_ =	swait.ge [sflag:s4], $0x0  }
0x19: {  	s7 =	sld [smem:$0x3F95]  }
0x1a: {  	s8 =	sadd.s32 $0xFFFFE003, lr  }
0x1b: {  	s9 =	sadd.s32 $0xFFFFFEF7, lr;
	s5 =	simm.s32 $0xFFFFFFFF;
	p2 =	slt.u32 s8, $0xFFFFF086  }
0x1c: {  	p1 =	slt.u32 s9, $0xF7A;
	s5 =	simm.s32 @!p2 $0x0  }
0x1d: {  	s5 =	simm.s32 @p1 $0x1;
	p0 =	seq.s32 s7, s2  }
0x1e: {  	s7 =	smul.u32 @!p0 $0xF7A, s2;
	p2 =	seq.s32 @!p0 s5, $0x0  }
0x1f: {  	s9 =	smul.u32 $0xF7A, s1;
	s8 =	simm.s32 @!p0 $0x1BF5;
	p2 =	por !p2, p0  }
0x20: {  	[sflag:s8] =	ssyncset.s32 @!p0 $0xFFFFF086;
	s6 =	sadd.s32 @!p0 s3, s7;
	s7 =	simm.s32 @!p0 $0x108  }
0x21: {  	s3 =	sadd.s32 s3, s9;
	s6 =	sadd.s32 @!p0 $0x88, s6;
	s7 =	simm.s32 @p2 $0x1082  }
0x22: {  	[simem:s7], [sflag:s8] =	dma.local @!p0 [hbm:s6], $0xF7A  }
0x23: {  	s9 =	sor.u32 $0xD0000000, s2;
	s6 =	simm.s32 $0x108;
	_ =	swait.ge @!p0 [sflag:s8], $0x0  }
0x24: {  	s3 =	sadd.s32 $0x88, s3;
	s6 =	simm.s32 @!p1 $0x1082;
	[sflag:s4] =	ssyncset.s32 $0xFFFFF086  }
0x25: {  	[simem:s6], [sflag:s4] =	dma.local [hbm:s3], $0xF7A  }
0x26: {  	[smem:$0x3F95] =	sst s1;
	(tag) =	ssettag s2;
	_ =	strace s9  }
0x27: {  	s1 =	sld [smem:$0x3FA5]  }
0x28: {  	s2 =	sld [smem:$0x3FA6]  }
0x29: {  	s4 =	sld [smem:$0x3FA8]  }
0x2a: {  	p0 =	seq.s32 s5, $0x0;
	s5 =	sld [smem:$0x3FA9]  }
0x2b: {  	s6 =	sld [smem:$0x3FAA]  }
0x2c: {  	s7 =	sld [smem:$0x3FAB]  }
0x2d: {  	s3 =	simm.s32 $0x108;
	s8 =	sld [smem:$0x3FAC]  }
0x2e: {  	s3 =	simm.s32 @!p0 $0x1082;
	s9 =	sld [smem:$0x3FAD]  }
0x2f: {  	lr =	sadd.s32 s0, s3;
	s0 =	sld [smem:$0x3FA4]  }
0x30: {  	s3 =	sld [smem:$0x3FA7]  }
0x31: {  	[smem:$0x3FB0] =	sst s10  }
0x32: {  	s10 =	sld [smem:$0x3FAE];
	_ =	sdelay $0x3  }
0x33: {  	p0 =	seq.s32 s10, $0x1;
	s10 =	sld [smem:$0x3FB0];
	_ =	sdelay $0x3  }
0x34: {  	[smem:$0x3FB0] =	sst s10  }
0x35: {  	s10 =	sld [smem:$0x3FAF];
	_ =	sdelay $0x3  }
0x36: {  	p1 =	seq.s32 s10, $0x1;
	s10 =	sld [smem:$0x3FB0];
	_ =	sdelay $0x3  }
0x37: {  	[smem:$0x3FB0] =	sst s10  }
0x38: {  	s10 =	sld [smem:$0x3FB1]  }
0x39: {  	_ = 	snop;
	(pc) =	sbr.ind lr, $3  }
0x3a: {  	_ = 	snop  }
0x3b: {  	_ = 	snop  }
0x3c: {  	p2 =	seq.s32 s10, $0x1;
	s10 =	sld [smem:$0x3FB0]  }
0x3d: {  	_ =	shalt  }
0x3e: {  	_ =	shalt  }
0x3f: {  	_ =	shalt  }
0x40: {  	_ =	shalt  }
0x41: {  	_ =	shalt  }
0x42: {  	_ =	shalt  }
0x43: {  	_ =	shalt  }
0x44: {  	_ =	shalt  }
0x45: {  	_ =	shalt  }
0x46: {  	_ =	shalt  }
0x47: {  	_ =	shalt  }
0x48: {  	_ =	shalt  }
0x49: {  	_ =	shalt  }
0x4a: {  	_ =	shalt  }
0x4b: {  	_ =	shalt  }
0x4c: {  	_ =	shalt  }
0x4d: {  	_ =	shalt  }
0x4e: {  	_ =	shalt  }
0x4f: {  	_ =	shalt  }
0x50: {  	_ =	shalt  }
0x51: {  	_ =	shalt  }
0x52: {  	_ =	shalt  }
0x53: {  	_ =	shalt  }
0x54: {  	_ =	shalt  }
0x55: {  	_ =	shalt  }
0x56: {  	_ =	shalt  }
0x57: {  	_ =	shalt  }
0x58: {  	_ =	shalt  }
0x59: {  	_ =	shalt  }
0x5a: {  	_ =	shalt  }
0x5b: {  	_ =	shalt  }
0x5c: {  	_ =	shalt  }
0x5d: {  	_ =	shalt  }
0x5e: {  	_ =	shalt  }
0x5f: {  	_ =	shalt  }
0x60: {  	_ =	shalt  }
0x61: {  	_ =	shalt  }
0x62: {  	_ =	shalt  }
0x63: {  	_ =	shalt  }
0x64: {  	_ =	shalt  }
0x65: {  	_ =	shalt  }
0x66: {  	_ =	shalt  }
0x67: {  	_ =	shalt  }
0x68: {  	_ =	shalt  }
0x69: {  	_ =	shalt  }
0x6a: {  	_ =	shalt  }
0x6b: {  	_ =	shalt  }
0x6c: {  	_ =	shalt  }
0x6d: {  	_ =	shalt  }
0x6e: {  	_ =	shalt  }
0x6f: {  	_ =	shalt  }
0x70: {  	_ =	shalt  }
0x71: {  	_ =	shalt  }
0x72: {  	_ =	shalt  }
0x73: {  	_ =	shalt  }
0x74: {  	_ =	shalt  }
0x75: {  	_ =	shalt  }
0x76: {  	_ =	shalt  }
0x77: {  	_ =	shalt  }
0x78: {  	_ =	shalt  }
0x79: {  	_ =	shalt  }
0x7a: {  	_ =	shalt  }
0x7b: {  	_ =	shalt  }
0x7c: {  	_ =	shalt  }
0x7d: {  	_ =	shalt  }
0x7e: {  	_ =	shalt  }
0x7f: {  	_ =	shalt  }
0x80: {  	_ =	shalt  }
0x81: {  	_ =	shalt  }
0x82: {  	_ =	shalt  }
0x83: {  	_ =	shalt  }
0x84: {  	_ =	shalt  }
0x85: {  	_ =	shalt  }
0x86: {  	_ =	shalt  }
0x87: {  	_ =	shalt  }
.Lfunc_end0:
.L_simem_size_0:
called_computation_lowered:
.L_overlay_start_0:
0x88: {  	s2 =	sld [smem:$0x3FD9]  }
0x89: {  	s3 =	sld [smem:$0x3FFE];
	_ =	sdelay $0x1  }
0x8a: {  	s1 =	srdreg.scid  }
0x8b: {  	s0 =	sand.u32 $0x1, s1  }
0x8c: {  	s14 =	sshll.u32 s0, $0xA;
	s2 =	sadd.s32 s3, s2  }
0x8d: {  	s2 =	sadd.s32 s2, s14  }
0x8e: {  	[smem:$0x3FBC] =	sst s2  }
0x8f: {  	_ = 	snop  }
0x90: {  	s2 =	sld [smem:$0x3FD0];
	_ =	sdelay $0x2  }
0x91: {  	s15 =	simm.s32 $0xA;
	s4 =	simm.s32 $0x10  }
0x92: {  	[smem:s4], [sflag:s15] =	dma.local [hbm:s2], $0x1  }
0x93: {  	_ =	swait.eq [sflag:s15], $0x1  }
0x94: {  	[sflag:s15] =	ssyncset.done $0x0  }
0x95: {  	s16 =	sld [smem:$0x10];
	[sflag:s15] =	ssyncadd.s32 $0xFFFFFFFF  }
0x96: {  	s17 =	sld [smem:$0x11];
	(tm) =	ssettm $0x1  }
0x97: {  	s18 =	sld [smem:$0x3FFB];
	_ =	sdelay $0x3  }
0x98: {  	_ =	strace s18  }
0x99: {  	s4 =	sld [smem:$0x3FFC];
	_ =	sdelay $0x3  }
0x9a: {  	_ =	strace s4  }
0x9b: {  	s4 =	sld [smem:$0x3FFD];
	_ =	sdelay $0x3  }
0x9c: {  	_ =	strace s4  }
0x9d: {  	_ =	strace $0x8FFFFFFF  }
0x9e: {  	s19 =	sld [smem:$0x3FDB];
	_ =	sdelay $0x1  }
0x9f: {  	s5 =	simm.s32 $_scs_section_size  }
0xa0: {  	s6 =	simm.s32 $_size__tile_overlayer_lowered;
	s7 =	simm.s32 $_tile_overlayer_lowered  }
0xa1: {  	s22 =	simm.s32 $0x1BFF;
	s21 =	sshll.u32 s7, $0x1;
	s4 =	sadd.s32 s5, s19  }
0xa2: {  	s8 =	simm.s32 $0x0;
	s20 =	sshll.u32 s6, $0x1;
	s6 =	sadd.s32 s21, s4  }
0xa3: {  	[timem:s8], [sflag:s22] =	dma.local [hbm:s6], s20  }
0xa4: {  	_ =	swait.ge [sflag:s22], s20  }
0xa5: {  	s5 =	ssub.s32 $0x0, s20;
	[sflag:s22] =	ssyncset.done $0x0  }
0xa6: {  	[sflag:s22] =	ssyncadd.s32 s5;
	_ =	sdelay $0x1  }
0xa7: {  	s23 =	simm.s32 $0x1B8B  }
0xa8: {  	_ =	swait.ge [sflag:s23], $0x1  }
0xa9: {  	[sflag:s23] =	ssyncset.done $0x0  }
0xaa: {  	s25 =	simm.s32 $0x1B8E;
	s24 =	sld [smem:$0x3FFE];
	[sflag:s23] =	ssyncadd.s32 $0xFFFFFFFF  }
0xab: {  	s26 =	simm.s32 $execute0_lowered;
	[smem:$0x3FD2] =	sst s25  }
0xac: {  	s6 =	sshll.u32 s26, $0x1;
	_ =	strace $0x80000046;
	[dreg:$0x1] =	wrdreg $0xFFFFFFFF  }
0xad: {  	s28 =	simm.s32 $_size_execute0_lowered;
	s4 =	sadd.s32 s4, s6;
	[dreg:$0x0] =	wrdreg $0x0  }
0xae: {  	s6 =	sshll.u32 s28, $0x1;
	[dreg:$0x2] =	wrdreg s4  }
0xaf: {  	[dreg:$0x3] =	wrdreg s6  }
0xb0: {  	[dreg:$0x4] =	wrdreg $0xC0  }
0xb1: {  	_ =	task [dreg:s8], $0x5FFFF  }
0xb2: {  	[dreg:$0x1] =	wrdreg $0xFFFFFFFF  }
0xb3: {  	[dreg:$0x0] =	wrdreg $0x60  }
0xb4: {  	[dreg:$0x2] =	wrdreg s16  }
0xb5: {  	[dreg:$0x3] =	wrdreg s24  }
0xb6: {  	[dreg:$0x4] =	wrdreg s17  }
0xb7: {  	[dreg:$0x5] =	wrdreg $0x9  }
0xb8: {  	_ =	task.clear_ibuf [dreg:s8], $0x6FFFF;
	_ =	strace $0x90000046  }
0xb9: {  	s29 =	simm.s32 $0x9;
	_ =	strace $0x80000048  }
0xba: {  	_ =	swait.ge [sflag:s29], $0x1  }
0xbb: {  	[sflag:s29] =	ssyncadd.s32 $0xFFFFFFFF  }
0xbc: {  	_ =	strace $0x90000048  }
0xbd: {  	_ =	sfence  }
0xbe: {  	s30 =	sld [smem:$0x0];
	_ =	sdelay $0x2  }
0xbf: {  	s31 =	sshll.u32 s1, $0xD;
	s1 =	sshrl.u32 s1, $0x2  }
0xc0: {  	s3 =	sand.u32 $0x4000, s31;
	s1 =	sadd.s32 s1, s30  }
0xc1: {  	s0 =	sor.u32 s3, s0;
	s1 =	sshll.u32 s1, $0x11  }
0xc2: {  	s0 =	sor.u32 s1, s0  }
0xc3: {  	s0 =	sadd.s32 $0x8F2B, s0  }
0xc4: {  	[sflag:s0] =	ssyncadd.remote.s32 $0x1  }
0xc5: {  	_ =	sfence.sel $0xFFFF  }
0xc6: {  	[dreg:$0x0] =	wrdreg $0xFFFFFFFF;
	(pc) =	sbr.abs _section_cstart, $3  }
0xc7: {  	[dreg:$0x1] =	wrdreg $0xFFFFFFFF  }
0xc8: {  	_ =	task.clear_ibuf [dreg:s8], $0x2FFFF;
	_ =	strace $0x9FFFFFFF  }
0xc9: {  	(tm) =	ssettm $0x7FFFFFFF  }
tec
execute0_lowered:
.L_overlay_start_1:
0x0: {  	(tag) =	ssettag $0x1  }
0x1: {  	s1 =	rddreg [dreg:$0x0]  }
0x2: {  	s6 =	rddreg [dreg:$0x1]  }
0x3: {  	s8 =	rddreg [dreg:$0x2]  }
0x4: {  	s0 =	rddreg [dreg:$0x3];
	s3 =	simm.s32 $0x0  }
0x5: {  	s4 =	srdreg.scid;
	s2 =	stileid.u32;
	s13 =	simm.s32 $0x80  }
0x6: {  	s14 =	simm.s32 $0x1;
	s15 =	simm.s32 $0x480;
	s16 =	simm.s32 $0x500  }
0x7: {  	s17 =	simm.s32 $0x400;
	s18 =	simm.s32 $0x600;
	s19 =	simm.s32 $0x0  }
0x8: {  	[smem:$0x7FF] =	sst s3;
	s7 =	sand.u32 $0x1, s4;
	s31 =	sshll.u32 s2, $0x8  }
0x9: {  	s9 =	sshrl.u32 s2, $0x2;
	s4 =	sadd.s32 $0x2200, s6;
	_ =	strace $0x80000047  }
0xa: {  	s5 =	sshll.u32 s7, $0x7;
	s10 =	sand.u32 $0x300, s31;
	s11 =	sshll.u32 s9, $0xA  }
0xb: {  	s7 =	ssub.s32 $0x2, s7;
	s9 =	sshll.u32 s9, $0xD;
	s10 =	sor.u32 s5, s10  }
0xc: {  	s5 =	sadd.s32 $0x2400, s6;
	s12 =	sshrl.u32 s7, $0x1;
	s11 =	sor.u32 s11, s10  }
0xd: {  	s12 =	ssub.s32 s7, s12;
	s9 =	sor.u32 s9, s10;
	s11 =	sshrl.u32 s11, $0x3  }
0xe: {  	s9 =	sshrl.u32 s9, $0x3;
	s10 =	smax.u32 s12, $0x1;
	s11 =	sadd.s32 s11, s6  }
0xf: {  	v1 =	vlaneseq.u32;
	s12 =	simm.s32 $0x580;
	s8 =	sadd.s32 s8, s9;
	s6 =	sadd.s32 $0x2600, s11  }
0x10: {  	v0 =	vimm.s32 $0x0;
	vm0 =	vmmov $0xff;
	v1 =	vmul.u32 $0x8, v1;
	s7 =	sadd.s32 $0x2800, s11;
	s9 =	sadd.s32 $0x2A00, s11;
	s11 =	simm.s32 $0x2  }
.LBB2_1:
0x11: {  	[tilespmem:s3], [sflag:$0x2] =	stream.linear.gather [hbm4b:s6+s3], $0x80, $0x38;
	[tilespmem:$0x680] =	vst v63  }
0x12: {  	_ =	swait.ge [sflag:s11], $0x80  }
0x13: {  	[sflag:s11] =	ssyncset.done $0x0  }
0x14: {  	[sflag:s11] =	ssyncadd.s32 $0xFFFFFF80  }
0x15: {  	[tilespmem:s12], [sflag:$0x2] =	stream.linear.gather [hbm4b:s7+s3], $0x80, $0x38;
	[tilespmem:$0x680] =	vst v63  }
0x16: {  	_ =	swait.ge [sflag:s11], $0x80  }
0x17: {  	[sflag:s11] =	ssyncset.done $0x0  }
0x18: {  	[sflag:s11] =	ssyncadd.s32 $0xFFFFFF80  }
0x19: {  	v2 =	vld.msk [tilespmem:$0x0], $0x1;
	_ =	sdelay $0x4  }
0x1a: {  	v3 =	vshll.u32 v2, $0x3  }
0x1b: {  	v2 =	vand.u32 $0x7, v2;
	v3 =	vand.u32 $0xFFFFFFC0, v3  }
0x1c: {  	v2 =	vor.u32 v2, v3  }
0x1d: {  	v2 =	vperm.xlane v2, v0;
	_ =	sdelay $0x1  }
0x1e: {  	v2 =	vadd.s32 v1, v2;
	_ =	sdelay $0x4  }
0x1f: {  	[tilespmem:s13], [sflag:$0x1] =	stream.indirect_vreg.gather [hbm4b:s1+s3], $0x80, v2, vm0, $0xb8;
	[tilespmem:$0x680] =	vst v63  }
0x20: {  	_ =	swait.ge [sflag:s14], $0x400  }
0x21: {  	[sflag:s14] =	ssyncset.done $0x0  }
0x22: {  	[sflag:s14] =	ssyncadd.s32 $0xFFFFFC00  }
0x23: {  	[tilespmem:s15], [sflag:$0x1] =	stream.indirect.gather [hbm4b:s4+s14], $0x80, s3, s14, $0xb8;
	[tilespmem:$0x680] =	vst v63  }
0x24: {  	_ =	swait.ge [sflag:s14], $0x80  }
0x25: {  	[sflag:s14] =	ssyncset.done $0x0  }
0x26: {  	[sflag:s14] =	ssyncadd.s32 $0xFFFFFF80  }
0x27: {  	[tilespmem:s16], [sflag:$0x1] =	stream.indirect.gather [hbm4b:s5+s14], $0x80, s3, s14, $0xb8;
	[tilespmem:$0x680] =	vst v63  }
0x28: {  	_ =	swait.ge [sflag:s14], $0x80  }
0x29: {  	[sflag:s14] =	ssyncset.done $0x0  }
0x2a: {  	[sflag:s14] =	ssyncadd.s32 $0xFFFFFF80  }
0x2b: {  	v2 =	vld [tilespmem:$0x580]  }
0x2c: {  	v3 =	vld [tilespmem:$0x480]  }
0x2d: {  	v4 =	vld [tilespmem:$0x500];
	_ =	sdelay $0x2  }
0x2e: {  	vm1 =	vgt.f32 v2, $0.0e+00  }
0x2f: {  	v2 =	vnsel vm1, $0x0, v3  }
0x30: {  	[tilespmem:$0x600] =	vst v2;
	v2 =	vnsel vm1, $0x0, v4  }
0x31: {  	s20 =	simm.s32 $0xC0;
	[tilespmem:$0x610] =	vst v2  }
0x32: {  	v4 =	vld [tilespmem:s20+$0xFFFFFFC0]  }
0x33: {  	v5 =	vld [tilespmem:s20+$0xFFFFFFD0]  }
0x34: {  	v6 =	vld [tilespmem:s20+$0xFFFFFFE0]  }
0x35: {  	v3 =	vld [tilespmem:s20+$0x0]  }
0x36: {  	v2 =	vld [tilespmem:s20+$0x10]  }
0x37: {  	v7 =	vnsel vm1, $0x0, v4;
	v4 =	vld [tilespmem:s20+$0x20]  }
0x38: {  	[tilespmem:s20+$0xFFFFFFC0] =	vst v7;
	v7 =	vnsel vm1, $0x0, v5;
	v5 =	vld [tilespmem:s20+$0x30]  }
0x39: {  	s21 =	simm.s32 $0x0;
	s22 =	simm.s32 $0x140;
	[tilespmem:s20+$0xFFFFFFD0] =	vst v7;
	v7 =	vnsel vm1, $0x0, v6;
	v6 =	vld [tilespmem:s20+$0xFFFFFFF0]  }
.LBB2_2:
0x3a: {  	v8 =	vld [tilespmem:s22+$0xFFFFFFC0];
	[tilespmem:s20+$0xFFFFFFE0] =	vst v7;
	v3 =	vnsel vm1, $0x0, v3  }
0x3b: {  	s21 =	sadd.s32 $0x8, s21;
	v7 =	vld [tilespmem:s22+$0xFFFFFFD0];
	[tilespmem:s20+$0x0] =	vst v3;
	v2 =	vnsel vm1, $0x0, v2  }
0x3c: {  	p0 =	slt.u32 s21, $0x38;
	v9 =	vld [tilespmem:s22+$0xFFFFFFE0];
	[tilespmem:s20+$0x10] =	vst v2;
	v2 =	vnsel vm1, $0x0, v4  }
.Ltmp0:
0x3d: {  	v3 =	vld [tilespmem:s22+$0x0];
	[tilespmem:s20+$0x20] =	vst v2;
	v4 =	vnsel vm1, $0x0, v5;
	(pc) =	sbr.rel @p0 .LBB2_2-.Ltmp0, $4  }
0x3e: {  	v2 =	vld [tilespmem:s22+$0x10];
	v5 =	vnsel vm1, $0x0, v6;
	[tilespmem:s20+$0x30] =	vst v4  }
0x3f: {  	v6 =	vnsel vm1, $0x0, v8;
	v4 =	vld [tilespmem:s22+$0x20];
	[tilespmem:s20+$0xFFFFFFF0] =	vst v5;
	s20 =	smov.u32 s22  }
0x40: {  	[tilespmem:s22+$0xFFFFFFC0] =	vst v6;
	v6 =	vnsel vm1, $0x0, v7;
	v5 =	vld [tilespmem:s22+$0x30]  }
0x41: {  	s22 =	sadd.s32 $0x80, s22;
	[tilespmem:s20+$0xFFFFFFD0] =	vst v6;
	v7 =	vnsel vm1, $0x0, v9;
	v6 =	vld [tilespmem:s20+$0xFFFFFFF0]  }
0x42: {  	[tilespmem:s20+$0xFFFFFFE0] =	vst v7;
	v3 =	vnsel vm1, $0x0, v3  }
0x43: {  	[tilespmem:s20+$0x0] =	vst v3;
	v2 =	vnsel vm1, $0x0, v2  }
0x44: {  	[tilespmem:s20+$0x10] =	vst v2;
	v2 =	vnsel vm1, $0x0, v4  }
0x45: {  	[tilespmem:s20+$0x20] =	vst v2;
	v2 =	vnsel vm1, $0x0, v5  }
0x46: {  	v3 =	vnsel vm1, $0x0, v6;
	[tilespmem:s20+$0x30] =	vst v2  }
0x47: {  	[tilespmem:s20+$0xFFFFFFF0] =	vst v3  }
0x48: {  	[hbm4b:s8+s13] =	stream.strided.scatter [tilespmem:s13], [sflag:$0x2], $0x400, s17, s13, $0x38;
	[tilespmem:$0x680] =	vst v63  }
0x49: {  	s19 =	sadd.s32 $0x1, s19;
	_ =	swait.ge [sflag:s11], $0x400  }
0x4a: {  	p0 =	sne.s32 s19, s10;
	[sflag:s11] =	ssyncset.done $0x0  }
.Ltmp1:
0x4b: {  	[sflag:s11] =	ssyncadd.s32 $0xFFFFFC00;
	(pc) =	sbr.rel @p0 .LBB2_1-.Ltmp1, $4  }
0x4c: {  	[hbm4b:s9+s3] =	stream.linear.scatter [tilespmem:s18], [sflag:$0x2], $0x80, $0x38;
	[tilespmem:$0x680] =	vst v63  }
0x4d: {  	_ =	swait.ge [sflag:s11], $0x80  }
0x4e: {  	[sflag:s11] =	ssyncset.done $0x0  }
0x4f: {  	[sflag:s11] =	ssyncadd.s32 $0xFFFFFF80  }
0x50: {  	_ =	sfence.sel $0x180000  }
0x51: {  	[bflag:$0x0] =	sbarrier.arrive $0xFFFF  }
0x52: {  	p0 =	sne.s32 s2, $0x0;
	_ =	strace $0x90000047  }
0x53: {  	s0 =	sadd.s32 @!p0 $0x100000, s0;
	[bflag:$0x2] =	sbarrier.arrive $0xFFFF  }
0x54: {  	[sflag:s0] =	ssyncadd.tile.s32 @!p0 $0x1;
	_ =	shalt  }
.Lfunc_end2:
_tile_overlayer_lowered:
.L_overlay_start_2:
0x55: {  	(tag) =	ssettag $0x2  }
0x56: {  	s0 =	rddreg [dreg:$0x0];
	s2 =	stileid.u32  }
0x57: {  	s1 =	rddreg [dreg:$0x1];
	p0 =	sne.s32 s2, $0x0  }
0x58: {  	s3 =	rddreg [dreg:$0x2];
	[bflag:$0x3] =	sbarrier.arrive $0xFFFF;
	s2 =	simm.s32 @!p0 $0x1C02  }
0x59: {  	[timem:s3], [sflag:s2] =	dma.local @!p0 [hbm:s0], s1  }
0x5a: {  	s0 =	simm.s32 @!p0 $0x2  }
0x5b: {  	_ =	swait.ge @!p0 [sflag:s0], s1  }
0x5c: {  	s1 =	ssub.s32 @!p0 $0x0, s1;
	[sflag:s0] =	ssyncset.done @!p0 $0x0  }
0x5d: {  	[sflag:s0] =	ssyncadd.s32 @!p0 s1  }
0x5e: {  	[bflag:$0x3] =	sbarrier.arrive $0xFFFF  }
0x5f: {  	_ =	shalt  }

</sc_bundles>
